<compile_context>
chip_gen: v7x
topology: tpu7x:2x2x1
jax: 0.10.2.dev20260603
libtpu: 0.0.44.dev20260713+nightly
codegen_flags: <defaults>
</compile_context>

<pallas_src>
import functools

import jax
import jax.numpy as jnp
from jax import lax
from jax.experimental import pallas as pl
from jax.experimental.pallas import tpu as pltpu
from jax.experimental.pallas import tpu_sc as plsc

N_NODES = 10000
N_EDGES = 320000
D = 128

NC = 2
NS = 16
CHUNK = 128
C0 = 128
C1 = 32
PHASES = 2
PC0 = C0 // PHASES
PC1 = C1 // PHASES
SC0_ROWS = NS * C0
N_ROWS = NS * (C0 + C1)
N_ROWS_PAD = 2608
EDGES_PAD = N_ROWS * CHUNK
N_NODES_PAD = 10112
ROWS_PER_TILE = N_NODES_PAD // NS


def _sc_gather_scatter(feat2, src2, dst2, zeros):
    mesh = plsc.VectorSubcoreMesh(core_axis_name="c", subcore_axis_name="s")

    @functools.partial(
        pl.kernel,
        out_type=jax.ShapeDtypeStruct((NC, N_NODES_PAD, D), jnp.float32),
        mesh=mesh,
        scratch_types=[
            pltpu.VMEM((PC0, CHUNK), jnp.int32),
            pltpu.VMEM((PC0, CHUNK), jnp.int32),
            pltpu.VMEM((CHUNK, D), jnp.float32),
            pltpu.VMEM((CHUNK, D), jnp.float32),
            pltpu.VMEM_SHARED((N_NODES_PAD, D), jnp.float32),
            pltpu.SemaphoreType.DMA,
            pltpu.SemaphoreType.DMA,
            pltpu.SemaphoreType.DMA,
            pltpu.SemaphoreType.DMA,
        ],
    )
    def k(feat_hbm, src_hbm, dst_hbm, zeros_hbm, out_hbm,
          src_v, dst_v, rows0, rows1, acc, g0, g1, s0, s1):
        rows = (rows0, rows1)
        gsems = (g0, g1)
        ssems = (s0, s1)
        c = lax.axis_index("c")
        s = lax.axis_index("s")
        table = feat_hbm.at[c]
        pc = jnp.where(c == 0, PC0, PC1)
        base = jnp.where(c == 0, s * C0, SC0_ROWS + s * C1)

        r0 = s * ROWS_PER_TILE
        pltpu.sync_copy(zeros_hbm.at[pl.ds(r0, ROWS_PER_TILE)],
                        acc.at[pl.ds(r0, ROWS_PER_TILE)])
        plsc.subcore_barrier()

        def start_gather(t, b):
            pltpu.async_copy(table.at[src_v.at[t]], rows[b], gsems[b])

        def wait_gather(t, b):
            pltpu.make_async_copy(
                table.at[src_v.at[t]], rows[b], gsems[b]).wait()

        def start_scatter(t, b):
            pltpu.async_copy(rows[b], acc.at[dst_v.at[t]], ssems[b], add=True)

        def wait_scatter(t, b):
            pltpu.make_async_copy(
                rows[b], acc.at[dst_v.at[t]], ssems[b]).wait()

        for p in range(PHASES):
            off = base + p * pc
            pltpu.sync_copy(src_hbm.at[pl.ds(off, PC0)], src_v)
            pltpu.sync_copy(dst_hbm.at[pl.ds(off, PC0)], dst_v)

            start_gather(0, 0)
            wait_gather(0, 0); start_scatter(0, 0); start_gather(1, 1)

            def epoch(e, carry):
                t0 = 2 * e + 1
                for i in range(2):
                    t = t0 + i
                    b = (1 + i) % 2
                    wait_gather(t, b)
                    wait_scatter(t - 1, 1 - b)
                    start_gather(t + 1, 1 - b)
                    start_scatter(t, b)
                return carry

            lax.fori_loop(0, (pc - 2) // 2, epoch, 0)

            t = pc - 1
            wait_gather(t, 1); wait_scatter(t - 1, 0); start_scatter(t, 1)
            wait_scatter(t, 1)

        plsc.subcore_barrier()
        pltpu.sync_copy(acc.at[pl.ds(r0, ROWS_PER_TILE)],
                        out_hbm.at[c, pl.ds(r0, ROWS_PER_TILE)])

    return k(feat2, src2, dst2, zeros)


def _tc_combine(feat, partial):
    blk = 1000

    def body(f_ref, p0_ref, p1_ref, o_ref):
        o_ref[...] = f_ref[...] + p0_ref[0] + p1_ref[0]

    return pl.pallas_call(
        body,
        grid=(N_NODES // blk,),
        in_specs=[
            pl.BlockSpec((blk, D), lambda i: (i, 0)),
            pl.BlockSpec((1, blk, D), lambda i: (0, i, 0)),
            pl.BlockSpec((1, blk, D), lambda i: (1, i, 0)),
        ],
        out_specs=pl.BlockSpec((blk, D), lambda i: (i, 0)),
        out_shape=jax.ShapeDtypeStruct((N_NODES, D), jnp.float32),
    )(feat, partial, partial)


@jax.jit
def kernel(feat, edge_index):
    ei = edge_index.astype(jnp.int32)
    pad = EDGES_PAD - N_EDGES
    trash = N_NODES + jnp.arange(pad, dtype=jnp.int32) % (N_NODES_PAD - N_NODES)
    src = jnp.concatenate([ei[0], jnp.zeros((pad,), jnp.int32)])
    dst = jnp.concatenate([ei[1], trash])
    over = (N_ROWS_PAD - N_ROWS) * CHUNK
    src2 = jnp.concatenate([src, jnp.zeros((over,), jnp.int32)])
    dst2 = jnp.concatenate([dst, jnp.zeros((over,), jnp.int32)])
    src2 = src2.reshape(N_ROWS_PAD, CHUNK)
    dst2 = dst2.reshape(N_ROWS_PAD, CHUNK)
    zeros = jnp.zeros((N_NODES_PAD, D), jnp.float32)
    feat2 = jnp.stack([feat, feat])
    partial = _sc_gather_scatter(feat2, src2, dst2, zeros)
    return _tc_combine(feat, partial)

# --- scband reference (transcript-rebuilt; emitter-appended) ---
"""Pipeline reference for scband-ginconv-28716151341439 (READ-ONLY COPY).

The authoritative reference and input builder live on the scoring server;
editing this copy changes nothing except your own understanding.
"""

import jax, jax.numpy as jnp
import numpy as np

N_NODES = 10000
N_EDGES = 320000
D_FEAT = 128
EPS = 0.0  # init_eps=0, non-learned buffer

def setup_inputs(seed: int = 0) -> dict:
    key = jax.random.key(seed)
    k1, k2 = jax.random.split(key)
    feat = jax.random.normal(k1, (N_NODES, D_FEAT), dtype=jnp.float32)
    edge_index = jax.random.randint(k2, (2, N_EDGES), 0, N_NODES, dtype=jnp.int64)
    return {"feat": feat, "edge_index": edge_index}

def reference(feat, edge_index):
    # GINConv with sum aggregator, apply_func=None, eps=0 (buffer)
    src = edge_index[0]
    dst = edge_index[1]
    # message: copy source node feature along each edge (gather)
    msgs = jnp.take(feat, src, axis=0)
    # reduce: sum messages into destination nodes (scatter-add)
    neigh = jax.ops.segment_sum(msgs, dst, num_segments=feat.shape[0])
    rst = (1.0 + EPS) * feat + neigh
    return rst

if __name__ == "__main__":
    import jax
    _d = setup_inputs()
    print(jax.jit(kernel)(*tuple(_d.values())))

</pallas_src>

<mosaic_0001>
#map = affine_map<(d0, d1) -> (0, 0, 0)>
#map1 = affine_map<(d0, d1) -> (0, 0)>
module attributes {stable_mosaic.version = 14 : i64} {
  func.func @k(%arg0: i32, %arg1: i32, %arg2: memref<2x10000x128xf32, #tpu.memory_space<hbm>>, %arg3: memref<2608x128xi32, #tpu.memory_space<hbm>>, %arg4: memref<2608x128xi32, #tpu.memory_space<hbm>>, %arg5: memref<10112x128xf32, #tpu.memory_space<hbm>>, %arg6: memref<2x10112x128xf32, #tpu.memory_space<hbm>>, %arg7: memref<64x128xi32, #tpu.memory_space<vmem>>, %arg8: memref<64x128xi32, #tpu.memory_space<vmem>>, %arg9: memref<128x128xf32, #tpu.memory_space<vmem>>, %arg10: memref<128x128xf32, #tpu.memory_space<vmem>>, %arg11: memref<10112x128xf32, #tpu.memory_space<vmem_shared>>, %arg12: memref<!tpu.dma_semaphore, #tpu.memory_space<semaphore_mem>>, %arg13: memref<!tpu.dma_semaphore, #tpu.memory_space<semaphore_mem>>, %arg14: memref<!tpu.dma_semaphore, #tpu.memory_space<semaphore_mem>>, %arg15: memref<!tpu.dma_semaphore, #tpu.memory_space<semaphore_mem>>) attributes {dimension_semantics = [#tpu.dimension_semantics<core_parallel>, #tpu.dimension_semantics<subcore_parallel>], iteration_bounds = array<i64: 2, 16>, scalar_prefetch = 0 : i64, scratch_operands = 9 : i64, tpu.core_type = #tpu.core_type<sc_vector_subcore>, window_params = [{transform_indices = #map}, {transform_indices = #map1}, {transform_indices = #map1}, {transform_indices = #map1}, {transform_indices = #map}]} {
    %eq3A = arith.constant 0 : i32
    %eq3A_0 = arith.cmpi eq, %arg0, %eq3A : i32
    %jit3A = arith.constant 64 : i32
    %jit3A_1 = arith.constant 16 : i32
    %select_n3A = arith.select %eq3A_0, %jit3A, %jit3A_1 : i32
    %eq3A_2 = arith.constant 0 : i32
    %eq3A_3 = arith.cmpi eq, %arg0, %eq3A_2 : i32
    %mul3A = arith.constant 128 : i32
    %mul3A_4 = arith.muli %arg1, %mul3A : i32
    %mul3A_5 = arith.constant 32 : i32
    %mul3A_6 = arith.muli %arg1, %mul3A_5 : i32
    %add3A = arith.constant 2048 : i32
    %add3A_7 = arith.addi %add3A, %mul3A_6 : i32
    %select_n3A_8 = arith.select %eq3A_3, %mul3A_4, %add3A_7 : i32
    %mul3A_9 = arith.constant 632 : i32
    %mul3A_10 = arith.muli %arg1, %mul3A_9 : i32
    "tpu.region"() ({
      %run_scoped3A = tpu.sem_alloc : memref<!tpu.dma_semaphore, #tpu.memory_space<semaphore_mem>>
      %dma_start3A_225 = arith.constant 0 : i32
      %dma_start3A_226 = tpu.memref_slice %arg11[%mul3A_10, %dma_start3A_225] : memref<10112x128xf32, #tpu.memory_space<vmem_shared>> -> memref<632x128xf32, #tpu.memory_space<vmem_shared>>
      %dma_start3A_227 = arith.constant 0 : i32
      %dma_start3A_228 = tpu.memref_slice %arg5[%mul3A_10, %dma_start3A_227] : memref<10112x128xf32, #tpu.memory_space<hbm>> -> memref<632x128xf32, #tpu.memory_space<hbm>>
      tpu.enqueue_dma source(%dma_start3A_228 : memref<632x128xf32, #tpu.memory_space<hbm>>) target(%dma_start3A_226 : memref<632x128xf32, #tpu.memory_space<vmem_shared>>) target_semaphore(%run_scoped3A : memref<!tpu.dma_semaphore, #tpu.memory_space<semaphore_mem>>)
      %dma_wait3A_229 = arith.constant 0 : i32
      %dma_wait3A_230 = tpu.memref_slice %arg11[%mul3A_10, %dma_wait3A_229] : memref<10112x128xf32, #tpu.memory_space<vmem_shared>> -> memref<632x128xf32, #tpu.memory_space<vmem_shared>>
      %dma_wait3A_231 = arith.constant 0 : i32
      %dma_wait3A_232 = tpu.memref_slice %arg5[%mul3A_10, %dma_wait3A_231] : memref<10112x128xf32, #tpu.memory_space<hbm>> -> memref<632x128xf32, #tpu.memory_space<hbm>>
      tpu.wait_dma2 semaphore(%run_scoped3A : memref<!tpu.dma_semaphore, #tpu.memory_space<semaphore_mem>>) src(%dma_wait3A_232 : memref<632x128xf32, #tpu.memory_space<hbm>>) dst(%dma_wait3A_230 : memref<632x128xf32, #tpu.memory_space<vmem_shared>>)
      tpu.yield
    }) : () -> ()
    %barrier3A = arith.constant 0 : index
    tpu.barrier barrier_id(%barrier3A)
    %mul3A_11 = arith.constant 0 : i32
    %mul3A_12 = arith.muli %mul3A_11, %select_n3A : i32
    %add3A_13 = arith.addi %select_n3A_8, %mul3A_12 : i32
    "tpu.region"() ({
      %run_scoped3A = tpu.sem_alloc : memref<!tpu.dma_semaphore, #tpu.memory_space<semaphore_mem>>
      %dma_start3A_225 = arith.constant 0 : i32
      %dma_start3A_226 = tpu.memref_slice %arg3[%add3A_13, %dma_start3A_225] : memref<2608x128xi32, #tpu.memory_space<hbm>> -> memref<64x128xi32, #tpu.memory_space<hbm>>
      %dma_start3A_227 = arith.constant 0 : i32
      %dma_start3A_228 = tpu.memref_slice %arg3[%add3A_13, %dma_start3A_227] : memref<2608x128xi32, #tpu.memory_space<hbm>> -> memref<64x128xi32, #tpu.memory_space<hbm>>
      tpu.enqueue_dma source(%dma_start3A_228 : memref<64x128xi32, #tpu.memory_space<hbm>>) target(%arg7 : memref<64x128xi32, #tpu.memory_space<vmem>>) target_semaphore(%run_scoped3A : memref<!tpu.dma_semaphore, #tpu.memory_space<semaphore_mem>>)
      %dma_wait3A_229 = arith.constant 0 : i32
      %dma_wait3A_230 = tpu.memref_slice %arg3[%add3A_13, %dma_wait3A_229] : memref<2608x128xi32, #tpu.memory_space<hbm>> -> memref<64x128xi32, #tpu.memory_space<hbm>>
      %dma_wait3A_231 = arith.constant 0 : i32
      %dma_wait3A_232 = tpu.memref_slice %arg3[%add3A_13, %dma_wait3A_231] : memref<2608x128xi32, #tpu.memory_space<hbm>> -> memref<64x128xi32, #tpu.memory_space<hbm>>
      tpu.wait_dma2 semaphore(%run_scoped3A : memref<!tpu.dma_semaphore, #tpu.memory_space<semaphore_mem>>) src(%dma_wait3A_232 : memref<64x128xi32, #tpu.memory_space<hbm>>) dst(%arg7 : memref<64x128xi32, #tpu.memory_space<vmem>>)
      tpu.yield
    }) : () -> ()
    "tpu.region"() ({
      %run_scoped3A = tpu.sem_alloc : memref<!tpu.dma_semaphore, #tpu.memory_space<semaphore_mem>>
      %dma_start3A_225 = arith.constant 0 : i32
      %dma_start3A_226 = tpu.memref_slice %arg4[%add3A_13, %dma_start3A_225] : memref<2608x128xi32, #tpu.memory_space<hbm>> -> memref<64x128xi32, #tpu.memory_space<hbm>>
      %dma_start3A_227 = arith.constant 0 : i32
      %dma_start3A_228 = tpu.memref_slice %arg4[%add3A_13, %dma_start3A_227] : memref<2608x128xi32, #tpu.memory_space<hbm>> -> memref<64x128xi32, #tpu.memory_space<hbm>>
      tpu.enqueue_dma source(%dma_start3A_228 : memref<64x128xi32, #tpu.memory_space<hbm>>) target(%arg8 : memref<64x128xi32, #tpu.memory_space<vmem>>) target_semaphore(%run_scoped3A : memref<!tpu.dma_semaphore, #tpu.memory_space<semaphore_mem>>)
      %dma_wait3A_229 = arith.constant 0 : i32
      %dma_wait3A_230 = tpu.memref_slice %arg4[%add3A_13, %dma_wait3A_229] : memref<2608x128xi32, #tpu.memory_space<hbm>> -> memref<64x128xi32, #tpu.memory_space<hbm>>
      %dma_wait3A_231 = arith.constant 0 : i32
      %dma_wait3A_232 = tpu.memref_slice %arg4[%add3A_13, %dma_wait3A_231] : memref<2608x128xi32, #tpu.memory_space<hbm>> -> memref<64x128xi32, #tpu.memory_space<hbm>>
      tpu.wait_dma2 semaphore(%run_scoped3A : memref<!tpu.dma_semaphore, #tpu.memory_space<semaphore_mem>>) src(%dma_wait3A_232 : memref<64x128xi32, #tpu.memory_space<hbm>>) dst(%arg8 : memref<64x128xi32, #tpu.memory_space<vmem>>)
      tpu.yield
    }) : () -> ()
    %dma_start3A = arith.constant 0 : i32
    %dma_start3A_14 = arith.constant 0 : i32
    %dma_start3A_15 = tpu.memref_slice %arg7[%dma_start3A, %dma_start3A_14] : memref<64x128xi32, #tpu.memory_space<vmem>> -> memref<1x128xi32, #tpu.memory_space<vmem>>
    %dma_start3A_16 = tpu.memref_squeeze %dma_start3A_15 : memref<1x128xi32, #tpu.memory_space<vmem>> -> memref<128xi32, #tpu.memory_space<vmem>>
    %dma_start3A_17 = arith.constant 0 : i32
    %dma_start3A_18 = arith.constant 0 : i32
    %dma_start3A_19 = tpu.memref_slice %arg2[%arg0, %dma_start3A_17, %dma_start3A_18] : memref<2x10000x128xf32, #tpu.memory_space<hbm>> -> memref<1x10000x128xf32, #tpu.memory_space<hbm>>
    %dma_start3A_20 = tpu.memref_squeeze %dma_start3A_19 : memref<1x10000x128xf32, #tpu.memory_space<hbm>> -> memref<10000x128xf32, #tpu.memory_space<hbm>>
    %dma_start3A_21 = arith.constant 0 : i32
    %dma_start3A_22 = arith.constant 0 : i32
    %dma_start3A_23 = tpu.memref_slice %dma_start3A_20[%dma_start3A_21, %dma_start3A_22] : memref<10000x128xf32, #tpu.memory_space<hbm>> -> memref<10000x128xf32, #tpu.memory_space<hbm>>
    tpu.enqueue_indirect_dma source(%dma_start3A_23 : memref<10000x128xf32, #tpu.memory_space<hbm>>) target(%arg9 : memref<128x128xf32, #tpu.memory_space<vmem>>) offsets(%dma_start3A_16 : memref<128xi32, #tpu.memory_space<vmem>>) semaphore(%arg12 : memref<!tpu.dma_semaphore, #tpu.memory_space<semaphore_mem>>)
    %dma_wait3A = arith.constant 0 : i32
    %dma_wait3A_24 = arith.constant 0 : i32
    %dma_wait3A_25 = tpu.memref_slice %arg7[%dma_wait3A, %dma_wait3A_24] : memref<64x128xi32, #tpu.memory_space<vmem>> -> memref<1x128xi32, #tpu.memory_space<vmem>>
    %dma_wait3A_26 = tpu.memref_squeeze %dma_wait3A_25 : memref<1x128xi32, #tpu.memory_space<vmem>> -> memref<128xi32, #tpu.memory_space<vmem>>
    %dma_wait3A_27 = arith.constant 0 : i32
    %dma_wait3A_28 = arith.constant 0 : i32
    %dma_wait3A_29 = tpu.memref_slice %arg2[%arg0, %dma_wait3A_27, %dma_wait3A_28] : memref<2x10000x128xf32, #tpu.memory_space<hbm>> -> memref<1x10000x128xf32, #tpu.memory_space<hbm>>
    %dma_wait3A_30 = tpu.memref_squeeze %dma_wait3A_29 : memref<1x10000x128xf32, #tpu.memory_space<hbm>> -> memref<10000x128xf32, #tpu.memory_space<hbm>>
    %dma_wait3A_31 = arith.constant 0 : i32
    %dma_wait3A_32 = arith.constant 0 : i32
    %dma_wait3A_33 = tpu.memref_slice %dma_wait3A_30[%dma_wait3A_31, %dma_wait3A_32] : memref<10000x128xf32, #tpu.memory_space<hbm>> -> memref<10000x128xf32, #tpu.memory_space<hbm>>
    tpu.wait_indirect_dma semaphore(%arg12 : memref<!tpu.dma_semaphore, #tpu.memory_space<semaphore_mem>>) src(%dma_wait3A_33 : memref<10000x128xf32, #tpu.memory_space<hbm>>) dst(%arg9 : memref<128x128xf32, #tpu.memory_space<vmem>>)
    %dma_start3A_34 = arith.constant 0 : i32
    %dma_start3A_35 = arith.constant 0 : i32
    %dma_start3A_36 = tpu.memref_slice %arg8[%dma_start3A_34, %dma_start3A_35] : memref<64x128xi32, #tpu.memory_space<vmem>> -> memref<1x128xi32, #tpu.memory_space<vmem>>
    %dma_start3A_37 = tpu.memref_squeeze %dma_start3A_36 : memref<1x128xi32, #tpu.memory_space<vmem>> -> memref<128xi32, #tpu.memory_space<vmem>>
    %dma_start3A_38 = arith.constant 0 : i32
    %dma_start3A_39 = arith.constant 0 : i32
    %dma_start3A_40 = tpu.memref_slice %arg11[%dma_start3A_38, %dma_start3A_39] : memref<10112x128xf32, #tpu.memory_space<vmem_shared>> -> memref<10112x128xf32, #tpu.memory_space<vmem_shared>>
    tpu.enqueue_indirect_dma source(%arg9 : memref<128x128xf32, #tpu.memory_space<vmem>>) target(%dma_start3A_40 : memref<10112x128xf32, #tpu.memory_space<vmem_shared>>) offsets(%dma_start3A_37 : memref<128xi32, #tpu.memory_space<vmem>>) semaphore(%arg14 : memref<!tpu.dma_semaphore, #tpu.memory_space<semaphore_mem>>) {add = true}
    %dma_start3A_41 = arith.constant 1 : i32
    %dma_start3A_42 = arith.constant 0 : i32
    %dma_start3A_43 = tpu.memref_slice %arg7[%dma_start3A_41, %dma_start3A_42] : memref<64x128xi32, #tpu.memory_space<vmem>> -> memref<1x128xi32, #tpu.memory_space<vmem>>
    %dma_start3A_44 = tpu.memref_squeeze %dma_start3A_43 : memref<1x128xi32, #tpu.memory_space<vmem>> -> memref<128xi32, #tpu.memory_space<vmem>>
    %dma_start3A_45 = arith.constant 0 : i32
    %dma_start3A_46 = arith.constant 0 : i32
    %dma_start3A_47 = tpu.memref_slice %arg2[%arg0, %dma_start3A_45, %dma_start3A_46] : memref<2x10000x128xf32, #tpu.memory_space<hbm>> -> memref<1x10000x128xf32, #tpu.memory_space<hbm>>
    %dma_start3A_48 = tpu.memref_squeeze %dma_start3A_47 : memref<1x10000x128xf32, #tpu.memory_space<hbm>> -> memref<10000x128xf32, #tpu.memory_space<hbm>>
    %dma_start3A_49 = arith.constant 0 : i32
    %dma_start3A_50 = arith.constant 0 : i32
    %dma_start3A_51 = tpu.memref_slice %dma_start3A_48[%dma_start3A_49, %dma_start3A_50] : memref<10000x128xf32, #tpu.memory_space<hbm>> -> memref<10000x128xf32, #tpu.memory_space<hbm>>
    tpu.enqueue_indirect_dma source(%dma_start3A_51 : memref<10000x128xf32, #tpu.memory_space<hbm>>) target(%arg10 : memref<128x128xf32, #tpu.memory_space<vmem>>) offsets(%dma_start3A_44 : memref<128xi32, #tpu.memory_space<vmem>>) semaphore(%arg13 : memref<!tpu.dma_semaphore, #tpu.memory_space<semaphore_mem>>)
    %sub3A = arith.constant 2 : i32
    %sub3A_52 = arith.subi %select_n3A, %sub3A : i32
    %jit3A_53 = arith.constant 2 : i32
    %div3A = arith.divsi %sub3A_52, %jit3A_53 : i32
    %sign3A = arith.constant 0 : i32
    %sign3A_54 = arith.cmpi sgt, %sub3A_52, %sign3A : i32
    %sign3A_55 = arith.extui %sign3A_54 : i1 to i32
    %sign3A_56 = arith.constant 0 : i32
    %sign3A_57 = arith.cmpi slt, %sub3A_52, %sign3A_56 : i32
    %sign3A_58 = arith.extui %sign3A_57 : i1 to i32
    %sign3A_59 = arith.subi %sign3A_55, %sign3A_58 : i32
    %sign3A_60 = arith.constant 0 : i32
    %sign3A_61 = arith.cmpi sgt, %jit3A_53, %sign3A_60 : i32
    %sign3A_62 = arith.extui %sign3A_61 : i1 to i32
    %sign3A_63 = arith.constant 0 : i32
    %sign3A_64 = arith.cmpi slt, %jit3A_53, %sign3A_63 : i32
    %sign3A_65 = arith.extui %sign3A_64 : i1 to i32
    %sign3A_66 = arith.subi %sign3A_62, %sign3A_65 : i32
    %ne3A = arith.cmpi ne, %sign3A_59, %sign3A_66 : i32
    %rem3A = arith.remsi %sub3A_52, %jit3A_53 : i32
    %ne3A_67 = arith.constant 0 : i32
    %ne3A_68 = arith.cmpi ne, %rem3A, %ne3A_67 : i32
    %and3A = arith.andi %ne3A, %ne3A_68 : i1
    %sub3A_69 = arith.constant 1 : i32
    %sub3A_70 = arith.subi %div3A, %sub3A_69 : i32
    %select_n3A_71 = arith.select %and3A, %sub3A_70, %div3A : i32
    %while3A = arith.constant 0 : i32
    %while3A_72 = arith.constant 0 : i32
    %while3A_73 = arith.subi %select_n3A_71, %while3A_72 : i32
    %while3A_74 = arith.addi %while3A_72, %while3A_73 : i32
    %while3A_75 = arith.constant 1 : i32
    %while3A_76 = arith.divsi %while3A_73, %while3A_75 : i32
    %while3A_77 = arith.muli %while3A_76, %while3A_75 : i32
    %while3A_78 = arith.addi %while3A_72, %while3A_77 : i32
    %while3A_79 = arith.constant 1 : i32
    scf.for %while3A_225 = %while3A_72 to %while3A_78 step %while3A_79  : i32 {
      %mul3A_226 = arith.constant 2 : i32
      %mul3A_227 = arith.muli %mul3A_226, %while3A_225 : i32
      %add3A_228 = arith.constant 1 : i32
      %add3A_229 = arith.addi %mul3A_227, %add3A_228 : i32
      %add3A_230 = arith.constant 0 : i32
      %add3A_231 = arith.addi %add3A_229, %add3A_230 : i32
      %dma_wait3A_232 = arith.constant 0 : i32
      %dma_wait3A_233 = tpu.memref_slice %arg7[%add3A_231, %dma_wait3A_232] : memref<64x128xi32, #tpu.memory_space<vmem>> -> memref<1x128xi32, #tpu.memory_space<vmem>>
      %dma_wait3A_234 = tpu.memref_squeeze %dma_wait3A_233 : memref<1x128xi32, #tpu.memory_space<vmem>> -> memref<128xi32, #tpu.memory_space<vmem>>
      %dma_wait3A_235 = arith.constant 0 : i32
      %dma_wait3A_236 = arith.constant 0 : i32
      %dma_wait3A_237 = tpu.memref_slice %arg2[%arg0, %dma_wait3A_235, %dma_wait3A_236] : memref<2x10000x128xf32, #tpu.memory_space<hbm>> -> memref<1x10000x128xf32, #tpu.memory_space<hbm>>
      %dma_wait3A_238 = tpu.memref_squeeze %dma_wait3A_237 : memref<1x10000x128xf32, #tpu.memory_space<hbm>> -> memref<10000x128xf32, #tpu.memory_space<hbm>>
      %dma_wait3A_239 = arith.constant 0 : i32
      %dma_wait3A_240 = arith.constant 0 : i32
      %dma_wait3A_241 = tpu.memref_slice %dma_wait3A_238[%dma_wait3A_239, %dma_wait3A_240] : memref<10000x128xf32, #tpu.memory_space<hbm>> -> memref<10000x128xf32, #tpu.memory_space<hbm>>
      tpu.wait_indirect_dma semaphore(%arg13 : memref<!tpu.dma_semaphore, #tpu.memory_space<semaphore_mem>>) src(%dma_wait3A_241 : memref<10000x128xf32, #tpu.memory_space<hbm>>) dst(%arg10 : memref<128x128xf32, #tpu.memory_space<vmem>>)
      %sub3A_242 = arith.constant 1 : i32
      %sub3A_243 = arith.subi %add3A_231, %sub3A_242 : i32
      %dma_wait3A_244 = arith.constant 0 : i32
      %dma_wait3A_245 = tpu.memref_slice %arg8[%sub3A_243, %dma_wait3A_244] : memref<64x128xi32, #tpu.memory_space<vmem>> -> memref<1x128xi32, #tpu.memory_space<vmem>>
      %dma_wait3A_246 = tpu.memref_squeeze %dma_wait3A_245 : memref<1x128xi32, #tpu.memory_space<vmem>> -> memref<128xi32, #tpu.memory_space<vmem>>
      %dma_wait3A_247 = arith.constant 0 : i32
      %dma_wait3A_248 = arith.constant 0 : i32
      %dma_wait3A_249 = tpu.memref_slice %arg11[%dma_wait3A_247, %dma_wait3A_248] : memref<10112x128xf32, #tpu.memory_space<vmem_shared>> -> memref<10112x128xf32, #tpu.memory_space<vmem_shared>>
      tpu.wait_indirect_dma semaphore(%arg14 : memref<!tpu.dma_semaphore, #tpu.memory_space<semaphore_mem>>) src(%arg9 : memref<128x128xf32, #tpu.memory_space<vmem>>) dst(%dma_wait3A_249 : memref<10112x128xf32, #tpu.memory_space<vmem_shared>>)
      %add3A_250 = arith.constant 1 : i32
      %add3A_251 = arith.addi %add3A_231, %add3A_250 : i32
      %dma_start3A_252 = arith.constant 0 : i32
      %dma_start3A_253 = tpu.memref_slice %arg7[%add3A_251, %dma_start3A_252] : memref<64x128xi32, #tpu.memory_space<vmem>> -> memref<1x128xi32, #tpu.memory_space<vmem>>
      %dma_start3A_254 = tpu.memref_squeeze %dma_start3A_253 : memref<1x128xi32, #tpu.memory_space<vmem>> -> memref<128xi32, #tpu.memory_space<vmem>>
      %dma_start3A_255 = arith.constant 0 : i32
      %dma_start3A_256 = arith.constant 0 : i32
      %dma_start3A_257 = tpu.memref_slice %arg2[%arg0, %dma_start3A_255, %dma_start3A_256] : memref<2x10000x128xf32, #tpu.memory_space<hbm>> -> memref<1x10000x128xf32, #tpu.memory_space<hbm>>
      %dma_start3A_258 = tpu.memref_squeeze %dma_start3A_257 : memref<1x10000x128xf32, #tpu.memory_space<hbm>> -> memref<10000x128xf32, #tpu.memory_space<hbm>>
      %dma_start3A_259 = arith.constant 0 : i32
      %dma_start3A_260 = arith.constant 0 : i32
      %dma_start3A_261 = tpu.memref_slice %dma_start3A_258[%dma_start3A_259, %dma_start3A_260] : memref<10000x128xf32, #tpu.memory_space<hbm>> -> memref<10000x128xf32, #tpu.memory_space<hbm>>
      tpu.enqueue_indirect_dma source(%dma_start3A_261 : memref<10000x128xf32, #tpu.memory_space<hbm>>) target(%arg9 : memref<128x128xf32, #tpu.memory_space<vmem>>) offsets(%dma_start3A_254 : memref<128xi32, #tpu.memory_space<vmem>>) semaphore(%arg12 : memref<!tpu.dma_semaphore, #tpu.memory_space<semaphore_mem>>)
      %dma_start3A_262 = arith.constant 0 : i32
      %dma_start3A_263 = tpu.memref_slice %arg8[%add3A_231, %dma_start3A_262] : memref<64x128xi32, #tpu.memory_space<vmem>> -> memref<1x128xi32, #tpu.memory_space<vmem>>
      %dma_start3A_264 = tpu.memref_squeeze %dma_start3A_263 : memref<1x128xi32, #tpu.memory_space<vmem>> -> memref<128xi32, #tpu.memory_space<vmem>>
      %dma_start3A_265 = arith.constant 0 : i32
      %dma_start3A_266 = arith.constant 0 : i32
      %dma_start3A_267 = tpu.memref_slice %arg11[%dma_start3A_265, %dma_start3A_266] : memref<10112x128xf32, #tpu.memory_space<vmem_shared>> -> memref<10112x128xf32, #tpu.memory_space<vmem_shared>>
      tpu.enqueue_indirect_dma source(%arg10 : memref<128x128xf32, #tpu.memory_space<vmem>>) target(%dma_start3A_267 : memref<10112x128xf32, #tpu.memory_space<vmem_shared>>) offsets(%dma_start3A_264 : memref<128xi32, #tpu.memory_space<vmem>>) semaphore(%arg15 : memref<!tpu.dma_semaphore, #tpu.memory_space<semaphore_mem>>) {add = true}
      %add3A_268 = arith.constant 1 : i32
      %add3A_269 = arith.addi %add3A_229, %add3A_268 : i32
      %dma_wait3A_270 = arith.constant 0 : i32
      %dma_wait3A_271 = tpu.memref_slice %arg7[%add3A_269, %dma_wait3A_270] : memref<64x128xi32, #tpu.memory_space<vmem>> -> memref<1x128xi32, #tpu.memory_space<vmem>>
      %dma_wait3A_272 = tpu.memref_squeeze %dma_wait3A_271 : memref<1x128xi32, #tpu.memory_space<vmem>> -> memref<128xi32, #tpu.memory_space<vmem>>
      %dma_wait3A_273 = arith.constant 0 : i32
      %dma_wait3A_274 = arith.constant 0 : i32
      %dma_wait3A_275 = tpu.memref_slice %arg2[%arg0, %dma_wait3A_273, %dma_wait3A_274] : memref<2x10000x128xf32, #tpu.memory_space<hbm>> -> memref<1x10000x128xf32, #tpu.memory_space<hbm>>
      %dma_wait3A_276 = tpu.memref_squeeze %dma_wait3A_275 : memref<1x10000x128xf32, #tpu.memory_space<hbm>> -> memref<10000x128xf32, #tpu.memory_space<hbm>>
      %dma_wait3A_277 = arith.constant 0 : i32
      %dma_wait3A_278 = arith.constant 0 : i32
      %dma_wait3A_279 = tpu.memref_slice %dma_wait3A_276[%dma_wait3A_277, %dma_wait3A_278] : memref<10000x128xf32, #tpu.memory_space<hbm>> -> memref<10000x128xf32, #tpu.memory_space<hbm>>
      tpu.wait_indirect_dma semaphore(%arg12 : memref<!tpu.dma_semaphore, #tpu.memory_space<semaphore_mem>>) src(%dma_wait3A_279 : memref<10000x128xf32, #tpu.memory_space<hbm>>) dst(%arg9 : memref<128x128xf32, #tpu.memory_space<vmem>>)
      %sub3A_280 = arith.constant 1 : i32
      %sub3A_281 = arith.subi %add3A_269, %sub3A_280 : i32
      %dma_wait3A_282 = arith.constant 0 : i32
      %dma_wait3A_283 = tpu.memref_slice %arg8[%sub3A_281, %dma_wait3A_282] : memref<64x128xi32, #tpu.memory_space<vmem>> -> memref<1x128xi32, #tpu.memory_space<vmem>>
      %dma_wait3A_284 = tpu.memref_squeeze %dma_wait3A_283 : memref<1x128xi32, #tpu.memory_space<vmem>> -> memref<128xi32, #tpu.memory_space<vmem>>
      %dma_wait3A_285 = arith.constant 0 : i32
      %dma_wait3A_286 = arith.constant 0 : i32
      %dma_wait3A_287 = tpu.memref_slice %arg11[%dma_wait3A_285, %dma_wait3A_286] : memref<10112x128xf32, #tpu.memory_space<vmem_shared>> -> memref<10112x128xf32, #tpu.memory_space<vmem_shared>>
      tpu.wait_indirect_dma semaphore(%arg15 : memref<!tpu.dma_semaphore, #tpu.memory_space<semaphore_mem>>) src(%arg10 : memref<128x128xf32, #tpu.memory_space<vmem>>) dst(%dma_wait3A_287 : memref<10112x128xf32, #tpu.memory_space<vmem_shared>>)
      %add3A_288 = arith.constant 1 : i32
      %add3A_289 = arith.addi %add3A_269, %add3A_288 : i32
      %dma_start3A_290 = arith.constant 0 : i32
      %dma_start3A_291 = tpu.memref_slice %arg7[%add3A_289, %dma_start3A_290] : memref<64x128xi32, #tpu.memory_space<vmem>> -> memref<1x128xi32, #tpu.memory_space<vmem>>
      %dma_start3A_292 = tpu.memref_squeeze %dma_start3A_291 : memref<1x128xi32, #tpu.memory_space<vmem>> -> memref<128xi32, #tpu.memory_space<vmem>>
      %dma_start3A_293 = arith.constant 0 : i32
      %dma_start3A_294 = arith.constant 0 : i32
      %dma_start3A_295 = tpu.memref_slice %arg2[%arg0, %dma_start3A_293, %dma_start3A_294] : memref<2x10000x128xf32, #tpu.memory_space<hbm>> -> memref<1x10000x128xf32, #tpu.memory_space<hbm>>
      %dma_start3A_296 = tpu.memref_squeeze %dma_start3A_295 : memref<1x10000x128xf32, #tpu.memory_space<hbm>> -> memref<10000x128xf32, #tpu.memory_space<hbm>>
      %dma_start3A_297 = arith.constant 0 : i32
      %dma_start3A_298 = arith.constant 0 : i32
      %dma_start3A_299 = tpu.memref_slice %dma_start3A_296[%dma_start3A_297, %dma_start3A_298] : memref<10000x128xf32, #tpu.memory_space<hbm>> -> memref<10000x128xf32, #tpu.memory_space<hbm>>
      tpu.enqueue_indirect_dma source(%dma_start3A_299 : memref<10000x128xf32, #tpu.memory_space<hbm>>) target(%arg10 : memref<128x128xf32, #tpu.memory_space<vmem>>) offsets(%dma_start3A_292 : memref<128xi32, #tpu.memory_space<vmem>>) semaphore(%arg13 : memref<!tpu.dma_semaphore, #tpu.memory_space<semaphore_mem>>)
      %dma_start3A_300 = arith.constant 0 : i32
      %dma_start3A_301 = tpu.memref_slice %arg8[%add3A_269, %dma_start3A_300] : memref<64x128xi32, #tpu.memory_space<vmem>> -> memref<1x128xi32, #tpu.memory_space<vmem>>
      %dma_start3A_302 = tpu.memref_squeeze %dma_start3A_301 : memref<1x128xi32, #tpu.memory_space<vmem>> -> memref<128xi32, #tpu.memory_space<vmem>>
      %dma_start3A_303 = arith.constant 0 : i32
      %dma_start3A_304 = arith.constant 0 : i32
      %dma_start3A_305 = tpu.memref_slice %arg11[%dma_start3A_303, %dma_start3A_304] : memref<10112x128xf32, #tpu.memory_space<vmem_shared>> -> memref<10112x128xf32, #tpu.memory_space<vmem_shared>>
      tpu.enqueue_indirect_dma source(%arg9 : memref<128x128xf32, #tpu.memory_space<vmem>>) target(%dma_start3A_305 : memref<10112x128xf32, #tpu.memory_space<vmem_shared>>) offsets(%dma_start3A_302 : memref<128xi32, #tpu.memory_space<vmem>>) semaphore(%arg14 : memref<!tpu.dma_semaphore, #tpu.memory_space<semaphore_mem>>) {add = true}
    }
    %while3A_80 = arith.constant 1 : i32
    scf.for %while3A_225 = %while3A_78 to %while3A_74 step %while3A_80  : i32 {
      %mul3A_226 = arith.constant 2 : i32
      %mul3A_227 = arith.muli %mul3A_226, %while3A_225 : i32
      %add3A_228 = arith.constant 1 : i32
      %add3A_229 = arith.addi %mul3A_227, %add3A_228 : i32
      %add3A_230 = arith.constant 0 : i32
      %add3A_231 = arith.addi %add3A_229, %add3A_230 : i32
      %dma_wait3A_232 = arith.constant 0 : i32
      %dma_wait3A_233 = tpu.memref_slice %arg7[%add3A_231, %dma_wait3A_232] : memref<64x128xi32, #tpu.memory_space<vmem>> -> memref<1x128xi32, #tpu.memory_space<vmem>>
      %dma_wait3A_234 = tpu.memref_squeeze %dma_wait3A_233 : memref<1x128xi32, #tpu.memory_space<vmem>> -> memref<128xi32, #tpu.memory_space<vmem>>
      %dma_wait3A_235 = arith.constant 0 : i32
      %dma_wait3A_236 = arith.constant 0 : i32
      %dma_wait3A_237 = tpu.memref_slice %arg2[%arg0, %dma_wait3A_235, %dma_wait3A_236] : memref<2x10000x128xf32, #tpu.memory_space<hbm>> -> memref<1x10000x128xf32, #tpu.memory_space<hbm>>
      %dma_wait3A_238 = tpu.memref_squeeze %dma_wait3A_237 : memref<1x10000x128xf32, #tpu.memory_space<hbm>> -> memref<10000x128xf32, #tpu.memory_space<hbm>>
      %dma_wait3A_239 = arith.constant 0 : i32
      %dma_wait3A_240 = arith.constant 0 : i32
      %dma_wait3A_241 = tpu.memref_slice %dma_wait3A_238[%dma_wait3A_239, %dma_wait3A_240] : memref<10000x128xf32, #tpu.memory_space<hbm>> -> memref<10000x128xf32, #tpu.memory_space<hbm>>
      tpu.wait_indirect_dma semaphore(%arg13 : memref<!tpu.dma_semaphore, #tpu.memory_space<semaphore_mem>>) src(%dma_wait3A_241 : memref<10000x128xf32, #tpu.memory_space<hbm>>) dst(%arg10 : memref<128x128xf32, #tpu.memory_space<vmem>>)
      %sub3A_242 = arith.constant 1 : i32
      %sub3A_243 = arith.subi %add3A_231, %sub3A_242 : i32
      %dma_wait3A_244 = arith.constant 0 : i32
      %dma_wait3A_245 = tpu.memref_slice %arg8[%sub3A_243, %dma_wait3A_244] : memref<64x128xi32, #tpu.memory_space<vmem>> -> memref<1x128xi32, #tpu.memory_space<vmem>>
      %dma_wait3A_246 = tpu.memref_squeeze %dma_wait3A_245 : memref<1x128xi32, #tpu.memory_space<vmem>> -> memref<128xi32, #tpu.memory_space<vmem>>
      %dma_wait3A_247 = arith.constant 0 : i32
      %dma_wait3A_248 = arith.constant 0 : i32
      %dma_wait3A_249 = tpu.memref_slice %arg11[%dma_wait3A_247, %dma_wait3A_248] : memref<10112x128xf32, #tpu.memory_space<vmem_shared>> -> memref<10112x128xf32, #tpu.memory_space<vmem_shared>>
      tpu.wait_indirect_dma semaphore(%arg14 : memref<!tpu.dma_semaphore, #tpu.memory_space<semaphore_mem>>) src(%arg9 : memref<128x128xf32, #tpu.memory_space<vmem>>) dst(%dma_wait3A_249 : memref<10112x128xf32, #tpu.memory_space<vmem_shared>>)
      %add3A_250 = arith.constant 1 : i32
      %add3A_251 = arith.addi %add3A_231, %add3A_250 : i32
      %dma_start3A_252 = arith.constant 0 : i32
      %dma_start3A_253 = tpu.memref_slice %arg7[%add3A_251, %dma_start3A_252] : memref<64x128xi32, #tpu.memory_space<vmem>> -> memref<1x128xi32, #tpu.memory_space<vmem>>
      %dma_start3A_254 = tpu.memref_squeeze %dma_start3A_253 : memref<1x128xi32, #tpu.memory_space<vmem>> -> memref<128xi32, #tpu.memory_space<vmem>>
      %dma_start3A_255 = arith.constant 0 : i32
      %dma_start3A_256 = arith.constant 0 : i32
      %dma_start3A_257 = tpu.memref_slice %arg2[%arg0, %dma_start3A_255, %dma_start3A_256] : memref<2x10000x128xf32, #tpu.memory_space<hbm>> -> memref<1x10000x128xf32, #tpu.memory_space<hbm>>
      %dma_start3A_258 = tpu.memref_squeeze %dma_start3A_257 : memref<1x10000x128xf32, #tpu.memory_space<hbm>> -> memref<10000x128xf32, #tpu.memory_space<hbm>>
      %dma_start3A_259 = arith.constant 0 : i32
      %dma_start3A_260 = arith.constant 0 : i32
      %dma_start3A_261 = tpu.memref_slice %dma_start3A_258[%dma_start3A_259, %dma_start3A_260] : memref<10000x128xf32, #tpu.memory_space<hbm>> -> memref<10000x128xf32, #tpu.memory_space<hbm>>
      tpu.enqueue_indirect_dma source(%dma_start3A_261 : memref<10000x128xf32, #tpu.memory_space<hbm>>) target(%arg9 : memref<128x128xf32, #tpu.memory_space<vmem>>) offsets(%dma_start3A_254 : memref<128xi32, #tpu.memory_space<vmem>>) semaphore(%arg12 : memref<!tpu.dma_semaphore, #tpu.memory_space<semaphore_mem>>)
      %dma_start3A_262 = arith.constant 0 : i32
      %dma_start3A_263 = tpu.memref_slice %arg8[%add3A_231, %dma_start3A_262] : memref<64x128xi32, #tpu.memory_space<vmem>> -> memref<1x128xi32, #tpu.memory_space<vmem>>
      %dma_start3A_264 = tpu.memref_squeeze %dma_start3A_263 : memref<1x128xi32, #tpu.memory_space<vmem>> -> memref<128xi32, #tpu.memory_space<vmem>>
      %dma_start3A_265 = arith.constant 0 : i32
      %dma_start3A_266 = arith.constant 0 : i32
      %dma_start3A_267 = tpu.memref_slice %arg11[%dma_start3A_265, %dma_start3A_266] : memref<10112x128xf32, #tpu.memory_space<vmem_shared>> -> memref<10112x128xf32, #tpu.memory_space<vmem_shared>>
      tpu.enqueue_indirect_dma source(%arg10 : memref<128x128xf32, #tpu.memory_space<vmem>>) target(%dma_start3A_267 : memref<10112x128xf32, #tpu.memory_space<vmem_shared>>) offsets(%dma_start3A_264 : memref<128xi32, #tpu.memory_space<vmem>>) semaphore(%arg15 : memref<!tpu.dma_semaphore, #tpu.memory_space<semaphore_mem>>) {add = true}
      %add3A_268 = arith.constant 1 : i32
      %add3A_269 = arith.addi %add3A_229, %add3A_268 : i32
      %dma_wait3A_270 = arith.constant 0 : i32
      %dma_wait3A_271 = tpu.memref_slice %arg7[%add3A_269, %dma_wait3A_270] : memref<64x128xi32, #tpu.memory_space<vmem>> -> memref<1x128xi32, #tpu.memory_space<vmem>>
      %dma_wait3A_272 = tpu.memref_squeeze %dma_wait3A_271 : memref<1x128xi32, #tpu.memory_space<vmem>> -> memref<128xi32, #tpu.memory_space<vmem>>
      %dma_wait3A_273 = arith.constant 0 : i32
      %dma_wait3A_274 = arith.constant 0 : i32
      %dma_wait3A_275 = tpu.memref_slice %arg2[%arg0, %dma_wait3A_273, %dma_wait3A_274] : memref<2x10000x128xf32, #tpu.memory_space<hbm>> -> memref<1x10000x128xf32, #tpu.memory_space<hbm>>
      %dma_wait3A_276 = tpu.memref_squeeze %dma_wait3A_275 : memref<1x10000x128xf32, #tpu.memory_space<hbm>> -> memref<10000x128xf32, #tpu.memory_space<hbm>>
      %dma_wait3A_277 = arith.constant 0 : i32
      %dma_wait3A_278 = arith.constant 0 : i32
      %dma_wait3A_279 = tpu.memref_slice %dma_wait3A_276[%dma_wait3A_277, %dma_wait3A_278] : memref<10000x128xf32, #tpu.memory_space<hbm>> -> memref<10000x128xf32, #tpu.memory_space<hbm>>
      tpu.wait_indirect_dma semaphore(%arg12 : memref<!tpu.dma_semaphore, #tpu.memory_space<semaphore_mem>>) src(%dma_wait3A_279 : memref<10000x128xf32, #tpu.memory_space<hbm>>) dst(%arg9 : memref<128x128xf32, #tpu.memory_space<vmem>>)
      %sub3A_280 = arith.constant 1 : i32
      %sub3A_281 = arith.subi %add3A_269, %sub3A_280 : i32
      %dma_wait3A_282 = arith.constant 0 : i32
      %dma_wait3A_283 = tpu.memref_slice %arg8[%sub3A_281, %dma_wait3A_282] : memref<64x128xi32, #tpu.memory_space<vmem>> -> memref<1x128xi32, #tpu.memory_space<vmem>>
      %dma_wait3A_284 = tpu.memref_squeeze %dma_wait3A_283 : memref<1x128xi32, #tpu.memory_space<vmem>> -> memref<128xi32, #tpu.memory_space<vmem>>
      %dma_wait3A_285 = arith.constant 0 : i32
      %dma_wait3A_286 = arith.constant 0 : i32
      %dma_wait3A_287 = tpu.memref_slice %arg11[%dma_wait3A_285, %dma_wait3A_286] : memref<10112x128xf32, #tpu.memory_space<vmem_shared>> -> memref<10112x128xf32, #tpu.memory_space<vmem_shared>>
      tpu.wait_indirect_dma semaphore(%arg15 : memref<!tpu.dma_semaphore, #tpu.memory_space<semaphore_mem>>) src(%arg10 : memref<128x128xf32, #tpu.memory_space<vmem>>) dst(%dma_wait3A_287 : memref<10112x128xf32, #tpu.memory_space<vmem_shared>>)
      %add3A_288 = arith.constant 1 : i32
      %add3A_289 = arith.addi %add3A_269, %add3A_288 : i32
      %dma_start3A_290 = arith.constant 0 : i32
      %dma_start3A_291 = tpu.memref_slice %arg7[%add3A_289, %dma_start3A_290] : memref<64x128xi32, #tpu.memory_space<vmem>> -> memref<1x128xi32, #tpu.memory_space<vmem>>
      %dma_start3A_292 = tpu.memref_squeeze %dma_start3A_291 : memref<1x128xi32, #tpu.memory_space<vmem>> -> memref<128xi32, #tpu.memory_space<vmem>>
      %dma_start3A_293 = arith.constant 0 : i32
      %dma_start3A_294 = arith.constant 0 : i32
      %dma_start3A_295 = tpu.memref_slice %arg2[%arg0, %dma_start3A_293, %dma_start3A_294] : memref<2x10000x128xf32, #tpu.memory_space<hbm>> -> memref<1x10000x128xf32, #tpu.memory_space<hbm>>
      %dma_start3A_296 = tpu.memref_squeeze %dma_start3A_295 : memref<1x10000x128xf32, #tpu.memory_space<hbm>> -> memref<10000x128xf32, #tpu.memory_space<hbm>>
      %dma_start3A_297 = arith.constant 0 : i32
      %dma_start3A_298 = arith.constant 0 : i32
      %dma_start3A_299 = tpu.memref_slice %dma_start3A_296[%dma_start3A_297, %dma_start3A_298] : memref<10000x128xf32, #tpu.memory_space<hbm>> -> memref<10000x128xf32, #tpu.memory_space<hbm>>
      tpu.enqueue_indirect_dma source(%dma_start3A_299 : memref<10000x128xf32, #tpu.memory_space<hbm>>) target(%arg10 : memref<128x128xf32, #tpu.memory_space<vmem>>) offsets(%dma_start3A_292 : memref<128xi32, #tpu.memory_space<vmem>>) semaphore(%arg13 : memref<!tpu.dma_semaphore, #tpu.memory_space<semaphore_mem>>)
      %dma_start3A_300 = arith.constant 0 : i32
      %dma_start3A_301 = tpu.memref_slice %arg8[%add3A_269, %dma_start3A_300] : memref<64x128xi32, #tpu.memory_space<vmem>> -> memref<1x128xi32, #tpu.memory_space<vmem>>
      %dma_start3A_302 = tpu.memref_squeeze %dma_start3A_301 : memref<1x128xi32, #tpu.memory_space<vmem>> -> memref<128xi32, #tpu.memory_space<vmem>>
      %dma_start3A_303 = arith.constant 0 : i32
      %dma_start3A_304 = arith.constant 0 : i32
      %dma_start3A_305 = tpu.memref_slice %arg11[%dma_start3A_303, %dma_start3A_304] : memref<10112x128xf32, #tpu.memory_space<vmem_shared>> -> memref<10112x128xf32, #tpu.memory_space<vmem_shared>>
      tpu.enqueue_indirect_dma source(%arg9 : memref<128x128xf32, #tpu.memory_space<vmem>>) target(%dma_start3A_305 : memref<10112x128xf32, #tpu.memory_space<vmem_shared>>) offsets(%dma_start3A_302 : memref<128xi32, #tpu.memory_space<vmem>>) semaphore(%arg14 : memref<!tpu.dma_semaphore, #tpu.memory_space<semaphore_mem>>) {add = true}
    }
    %sub3A_81 = arith.constant 1 : i32
    %sub3A_82 = arith.subi %select_n3A, %sub3A_81 : i32
    %dma_wait3A_83 = arith.constant 0 : i32
    %dma_wait3A_84 = tpu.memref_slice %arg7[%sub3A_82, %dma_wait3A_83] : memref<64x128xi32, #tpu.memory_space<vmem>> -> memref<1x128xi32, #tpu.memory_space<vmem>>
    %dma_wait3A_85 = tpu.memref_squeeze %dma_wait3A_84 : memref<1x128xi32, #tpu.memory_space<vmem>> -> memref<128xi32, #tpu.memory_space<vmem>>
    %dma_wait3A_86 = arith.constant 0 : i32
    %dma_wait3A_87 = arith.constant 0 : i32
    %dma_wait3A_88 = tpu.memref_slice %arg2[%arg0, %dma_wait3A_86, %dma_wait3A_87] : memref<2x10000x128xf32, #tpu.memory_space<hbm>> -> memref<1x10000x128xf32, #tpu.memory_space<hbm>>
    %dma_wait3A_89 = tpu.memref_squeeze %dma_wait3A_88 : memref<1x10000x128xf32, #tpu.memory_space<hbm>> -> memref<10000x128xf32, #tpu.memory_space<hbm>>
    %dma_wait3A_90 = arith.constant 0 : i32
    %dma_wait3A_91 = arith.constant 0 : i32
    %dma_wait3A_92 = tpu.memref_slice %dma_wait3A_89[%dma_wait3A_90, %dma_wait3A_91] : memref<10000x128xf32, #tpu.memory_space<hbm>> -> memref<10000x128xf32, #tpu.memory_space<hbm>>
    tpu.wait_indirect_dma semaphore(%arg13 : memref<!tpu.dma_semaphore, #tpu.memory_space<semaphore_mem>>) src(%dma_wait3A_92 : memref<10000x128xf32, #tpu.memory_space<hbm>>) dst(%arg10 : memref<128x128xf32, #tpu.memory_space<vmem>>)
    %sub3A_93 = arith.constant 1 : i32
    %sub3A_94 = arith.subi %sub3A_82, %sub3A_93 : i32
    %dma_wait3A_95 = arith.constant 0 : i32
    %dma_wait3A_96 = tpu.memref_slice %arg8[%sub3A_94, %dma_wait3A_95] : memref<64x128xi32, #tpu.memory_space<vmem>> -> memref<1x128xi32, #tpu.memory_space<vmem>>
    %dma_wait3A_97 = tpu.memref_squeeze %dma_wait3A_96 : memref<1x128xi32, #tpu.memory_space<vmem>> -> memref<128xi32, #tpu.memory_space<vmem>>
    %dma_wait3A_98 = arith.constant 0 : i32
    %dma_wait3A_99 = arith.constant 0 : i32
    %dma_wait3A_100 = tpu.memref_slice %arg11[%dma_wait3A_98, %dma_wait3A_99] : memref<10112x128xf32, #tpu.memory_space<vmem_shared>> -> memref<10112x128xf32, #tpu.memory_space<vmem_shared>>
    tpu.wait_indirect_dma semaphore(%arg14 : memref<!tpu.dma_semaphore, #tpu.memory_space<semaphore_mem>>) src(%arg9 : memref<128x128xf32, #tpu.memory_space<vmem>>) dst(%dma_wait3A_100 : memref<10112x128xf32, #tpu.memory_space<vmem_shared>>)
    %dma_start3A_101 = arith.constant 0 : i32
    %dma_start3A_102 = tpu.memref_slice %arg8[%sub3A_82, %dma_start3A_101] : memref<64x128xi32, #tpu.memory_space<vmem>> -> memref<1x128xi32, #tpu.memory_space<vmem>>
    %dma_start3A_103 = tpu.memref_squeeze %dma_start3A_102 : memref<1x128xi32, #tpu.memory_space<vmem>> -> memref<128xi32, #tpu.memory_space<vmem>>
    %dma_start3A_104 = arith.constant 0 : i32
    %dma_start3A_105 = arith.constant 0 : i32
    %dma_start3A_106 = tpu.memref_slice %arg11[%dma_start3A_104, %dma_start3A_105] : memref<10112x128xf32, #tpu.memory_space<vmem_shared>> -> memref<10112x128xf32, #tpu.memory_space<vmem_shared>>
    tpu.enqueue_indirect_dma source(%arg10 : memref<128x128xf32, #tpu.memory_space<vmem>>) target(%dma_start3A_106 : memref<10112x128xf32, #tpu.memory_space<vmem_shared>>) offsets(%dma_start3A_103 : memref<128xi32, #tpu.memory_space<vmem>>) semaphore(%arg15 : memref<!tpu.dma_semaphore, #tpu.memory_space<semaphore_mem>>) {add = true}
    %dma_wait3A_107 = arith.constant 0 : i32
    %dma_wait3A_108 = tpu.memref_slice %arg8[%sub3A_82, %dma_wait3A_107] : memref<64x128xi32, #tpu.memory_space<vmem>> -> memref<1x128xi32, #tpu.memory_space<vmem>>
    %dma_wait3A_109 = tpu.memref_squeeze %dma_wait3A_108 : memref<1x128xi32, #tpu.memory_space<vmem>> -> memref<128xi32, #tpu.memory_space<vmem>>
    %dma_wait3A_110 = arith.constant 0 : i32
    %dma_wait3A_111 = arith.constant 0 : i32
    %dma_wait3A_112 = tpu.memref_slice %arg11[%dma_wait3A_110, %dma_wait3A_111] : memref<10112x128xf32, #tpu.memory_space<vmem_shared>> -> memref<10112x128xf32, #tpu.memory_space<vmem_shared>>
    tpu.wait_indirect_dma semaphore(%arg15 : memref<!tpu.dma_semaphore, #tpu.memory_space<semaphore_mem>>) src(%arg10 : memref<128x128xf32, #tpu.memory_space<vmem>>) dst(%dma_wait3A_112 : memref<10112x128xf32, #tpu.memory_space<vmem_shared>>)
    %mul3A_113 = arith.constant 1 : i32
    %mul3A_114 = arith.muli %mul3A_113, %select_n3A : i32
    %add3A_115 = arith.addi %select_n3A_8, %mul3A_114 : i32
    "tpu.region"() ({
      %run_scoped3A = tpu.sem_alloc : memref<!tpu.dma_semaphore, #tpu.memory_space<semaphore_mem>>
      %dma_start3A_225 = arith.constant 0 : i32
      %dma_start3A_226 = tpu.memref_slice %arg3[%add3A_115, %dma_start3A_225] : memref<2608x128xi32, #tpu.memory_space<hbm>> -> memref<64x128xi32, #tpu.memory_space<hbm>>
      %dma_start3A_227 = arith.constant 0 : i32
      %dma_start3A_228 = tpu.memref_slice %arg3[%add3A_115, %dma_start3A_227] : memref<2608x128xi32, #tpu.memory_space<hbm>> -> memref<64x128xi32, #tpu.memory_space<hbm>>
      tpu.enqueue_dma source(%dma_start3A_228 : memref<64x128xi32, #tpu.memory_space<hbm>>) target(%arg7 : memref<64x128xi32, #tpu.memory_space<vmem>>) target_semaphore(%run_scoped3A : memref<!tpu.dma_semaphore, #tpu.memory_space<semaphore_mem>>)
      %dma_wait3A_229 = arith.constant 0 : i32
      %dma_wait3A_230 = tpu.memref_slice %arg3[%add3A_115, %dma_wait3A_229] : memref<2608x128xi32, #tpu.memory_space<hbm>> -> memref<64x128xi32, #tpu.memory_space<hbm>>
      %dma_wait3A_231 = arith.constant 0 : i32
      %dma_wait3A_232 = tpu.memref_slice %arg3[%add3A_115, %dma_wait3A_231] : memref<2608x128xi32, #tpu.memory_space<hbm>> -> memref<64x128xi32, #tpu.memory_space<hbm>>
      tpu.wait_dma2 semaphore(%run_scoped3A : memref<!tpu.dma_semaphore, #tpu.memory_space<semaphore_mem>>) src(%dma_wait3A_232 : memref<64x128xi32, #tpu.memory_space<hbm>>) dst(%arg7 : memref<64x128xi32, #tpu.memory_space<vmem>>)
      tpu.yield
    }) : () -> ()
    "tpu.region"() ({
      %run_scoped3A = tpu.sem_alloc : memref<!tpu.dma_semaphore, #tpu.memory_space<semaphore_mem>>
      %dma_start3A_225 = arith.constant 0 : i32
      %dma_start3A_226 = tpu.memref_slice %arg4[%add3A_115, %dma_start3A_225] : memref<2608x128xi32, #tpu.memory_space<hbm>> -> memref<64x128xi32, #tpu.memory_space<hbm>>
      %dma_start3A_227 = arith.constant 0 : i32
      %dma_start3A_228 = tpu.memref_slice %arg4[%add3A_115, %dma_start3A_227] : memref<2608x128xi32, #tpu.memory_space<hbm>> -> memref<64x128xi32, #tpu.memory_space<hbm>>
      tpu.enqueue_dma source(%dma_start3A_228 : memref<64x128xi32, #tpu.memory_space<hbm>>) target(%arg8 : memref<64x128xi32, #tpu.memory_space<vmem>>) target_semaphore(%run_scoped3A : memref<!tpu.dma_semaphore, #tpu.memory_space<semaphore_mem>>)
      %dma_wait3A_229 = arith.constant 0 : i32
      %dma_wait3A_230 = tpu.memref_slice %arg4[%add3A_115, %dma_wait3A_229] : memref<2608x128xi32, #tpu.memory_space<hbm>> -> memref<64x128xi32, #tpu.memory_space<hbm>>
      %dma_wait3A_231 = arith.constant 0 : i32
      %dma_wait3A_232 = tpu.memref_slice %arg4[%add3A_115, %dma_wait3A_231] : memref<2608x128xi32, #tpu.memory_space<hbm>> -> memref<64x128xi32, #tpu.memory_space<hbm>>
      tpu.wait_dma2 semaphore(%run_scoped3A : memref<!tpu.dma_semaphore, #tpu.memory_space<semaphore_mem>>) src(%dma_wait3A_232 : memref<64x128xi32, #tpu.memory_space<hbm>>) dst(%arg8 : memref<64x128xi32, #tpu.memory_space<vmem>>)
      tpu.yield
    }) : () -> ()
    %dma_start3A_116 = arith.constant 0 : i32
    %dma_start3A_117 = arith.constant 0 : i32
    %dma_start3A_118 = tpu.memref_slice %arg7[%dma_start3A_116, %dma_start3A_117] : memref<64x128xi32, #tpu.memory_space<vmem>> -> memref<1x128xi32, #tpu.memory_space<vmem>>
    %dma_start3A_119 = tpu.memref_squeeze %dma_start3A_118 : memref<1x128xi32, #tpu.memory_space<vmem>> -> memref<128xi32, #tpu.memory_space<vmem>>
    %dma_start3A_120 = arith.constant 0 : i32
    %dma_start3A_121 = arith.constant 0 : i32
    %dma_start3A_122 = tpu.memref_slice %arg2[%arg0, %dma_start3A_120, %dma_start3A_121] : memref<2x10000x128xf32, #tpu.memory_space<hbm>> -> memref<1x10000x128xf32, #tpu.memory_space<hbm>>
    %dma_start3A_123 = tpu.memref_squeeze %dma_start3A_122 : memref<1x10000x128xf32, #tpu.memory_space<hbm>> -> memref<10000x128xf32, #tpu.memory_space<hbm>>
    %dma_start3A_124 = arith.constant 0 : i32
    %dma_start3A_125 = arith.constant 0 : i32
    %dma_start3A_126 = tpu.memref_slice %dma_start3A_123[%dma_start3A_124, %dma_start3A_125] : memref<10000x128xf32, #tpu.memory_space<hbm>> -> memref<10000x128xf32, #tpu.memory_space<hbm>>
    tpu.enqueue_indirect_dma source(%dma_start3A_126 : memref<10000x128xf32, #tpu.memory_space<hbm>>) target(%arg9 : memref<128x128xf32, #tpu.memory_space<vmem>>) offsets(%dma_start3A_119 : memref<128xi32, #tpu.memory_space<vmem>>) semaphore(%arg12 : memref<!tpu.dma_semaphore, #tpu.memory_space<semaphore_mem>>)
    %dma_wait3A_127 = arith.constant 0 : i32
    %dma_wait3A_128 = arith.constant 0 : i32
    %dma_wait3A_129 = tpu.memref_slice %arg7[%dma_wait3A_127, %dma_wait3A_128] : memref<64x128xi32, #tpu.memory_space<vmem>> -> memref<1x128xi32, #tpu.memory_space<vmem>>
    %dma_wait3A_130 = tpu.memref_squeeze %dma_wait3A_129 : memref<1x128xi32, #tpu.memory_space<vmem>> -> memref<128xi32, #tpu.memory_space<vmem>>
    %dma_wait3A_131 = arith.constant 0 : i32
    %dma_wait3A_132 = arith.constant 0 : i32
    %dma_wait3A_133 = tpu.memref_slice %arg2[%arg0, %dma_wait3A_131, %dma_wait3A_132] : memref<2x10000x128xf32, #tpu.memory_space<hbm>> -> memref<1x10000x128xf32, #tpu.memory_space<hbm>>
    %dma_wait3A_134 = tpu.memref_squeeze %dma_wait3A_133 : memref<1x10000x128xf32, #tpu.memory_space<hbm>> -> memref<10000x128xf32, #tpu.memory_space<hbm>>
    %dma_wait3A_135 = arith.constant 0 : i32
    %dma_wait3A_136 = arith.constant 0 : i32
    %dma_wait3A_137 = tpu.memref_slice %dma_wait3A_134[%dma_wait3A_135, %dma_wait3A_136] : memref<10000x128xf32, #tpu.memory_space<hbm>> -> memref<10000x128xf32, #tpu.memory_space<hbm>>
    tpu.wait_indirect_dma semaphore(%arg12 : memref<!tpu.dma_semaphore, #tpu.memory_space<semaphore_mem>>) src(%dma_wait3A_137 : memref<10000x128xf32, #tpu.memory_space<hbm>>) dst(%arg9 : memref<128x128xf32, #tpu.memory_space<vmem>>)
    %dma_start3A_138 = arith.constant 0 : i32
    %dma_start3A_139 = arith.constant 0 : i32
    %dma_start3A_140 = tpu.memref_slice %arg8[%dma_start3A_138, %dma_start3A_139] : memref<64x128xi32, #tpu.memory_space<vmem>> -> memref<1x128xi32, #tpu.memory_space<vmem>>
    %dma_start3A_141 = tpu.memref_squeeze %dma_start3A_140 : memref<1x128xi32, #tpu.memory_space<vmem>> -> memref<128xi32, #tpu.memory_space<vmem>>
    %dma_start3A_142 = arith.constant 0 : i32
    %dma_start3A_143 = arith.constant 0 : i32
    %dma_start3A_144 = tpu.memref_slice %arg11[%dma_start3A_142, %dma_start3A_143] : memref<10112x128xf32, #tpu.memory_space<vmem_shared>> -> memref<10112x128xf32, #tpu.memory_space<vmem_shared>>
    tpu.enqueue_indirect_dma source(%arg9 : memref<128x128xf32, #tpu.memory_space<vmem>>) target(%dma_start3A_144 : memref<10112x128xf32, #tpu.memory_space<vmem_shared>>) offsets(%dma_start3A_141 : memref<128xi32, #tpu.memory_space<vmem>>) semaphore(%arg14 : memref<!tpu.dma_semaphore, #tpu.memory_space<semaphore_mem>>) {add = true}
    %dma_start3A_145 = arith.constant 1 : i32
    %dma_start3A_146 = arith.constant 0 : i32
    %dma_start3A_147 = tpu.memref_slice %arg7[%dma_start3A_145, %dma_start3A_146] : memref<64x128xi32, #tpu.memory_space<vmem>> -> memref<1x128xi32, #tpu.memory_space<vmem>>
    %dma_start3A_148 = tpu.memref_squeeze %dma_start3A_147 : memref<1x128xi32, #tpu.memory_space<vmem>> -> memref<128xi32, #tpu.memory_space<vmem>>
    %dma_start3A_149 = arith.constant 0 : i32
    %dma_start3A_150 = arith.constant 0 : i32
    %dma_start3A_151 = tpu.memref_slice %arg2[%arg0, %dma_start3A_149, %dma_start3A_150] : memref<2x10000x128xf32, #tpu.memory_space<hbm>> -> memref<1x10000x128xf32, #tpu.memory_space<hbm>>
    %dma_start3A_152 = tpu.memref_squeeze %dma_start3A_151 : memref<1x10000x128xf32, #tpu.memory_space<hbm>> -> memref<10000x128xf32, #tpu.memory_space<hbm>>
    %dma_start3A_153 = arith.constant 0 : i32
    %dma_start3A_154 = arith.constant 0 : i32
    %dma_start3A_155 = tpu.memref_slice %dma_start3A_152[%dma_start3A_153, %dma_start3A_154] : memref<10000x128xf32, #tpu.memory_space<hbm>> -> memref<10000x128xf32, #tpu.memory_space<hbm>>
    tpu.enqueue_indirect_dma source(%dma_start3A_155 : memref<10000x128xf32, #tpu.memory_space<hbm>>) target(%arg10 : memref<128x128xf32, #tpu.memory_space<vmem>>) offsets(%dma_start3A_148 : memref<128xi32, #tpu.memory_space<vmem>>) semaphore(%arg13 : memref<!tpu.dma_semaphore, #tpu.memory_space<semaphore_mem>>)
    %sub3A_156 = arith.constant 2 : i32
    %sub3A_157 = arith.subi %select_n3A, %sub3A_156 : i32
    %jit3A_158 = arith.constant 2 : i32
    %div3A_159 = arith.divsi %sub3A_157, %jit3A_158 : i32
    %sign3A_160 = arith.constant 0 : i32
    %sign3A_161 = arith.cmpi sgt, %sub3A_157, %sign3A_160 : i32
    %sign3A_162 = arith.extui %sign3A_161 : i1 to i32
    %sign3A_163 = arith.constant 0 : i32
    %sign3A_164 = arith.cmpi slt, %sub3A_157, %sign3A_163 : i32
    %sign3A_165 = arith.extui %sign3A_164 : i1 to i32
    %sign3A_166 = arith.subi %sign3A_162, %sign3A_165 : i32
    %sign3A_167 = arith.constant 0 : i32
    %sign3A_168 = arith.cmpi sgt, %jit3A_158, %sign3A_167 : i32
    %sign3A_169 = arith.extui %sign3A_168 : i1 to i32
    %sign3A_170 = arith.constant 0 : i32
    %sign3A_171 = arith.cmpi slt, %jit3A_158, %sign3A_170 : i32
    %sign3A_172 = arith.extui %sign3A_171 : i1 to i32
    %sign3A_173 = arith.subi %sign3A_169, %sign3A_172 : i32
    %ne3A_174 = arith.cmpi ne, %sign3A_166, %sign3A_173 : i32
    %rem3A_175 = arith.remsi %sub3A_157, %jit3A_158 : i32
    %ne3A_176 = arith.constant 0 : i32
    %ne3A_177 = arith.cmpi ne, %rem3A_175, %ne3A_176 : i32
    %and3A_178 = arith.andi %ne3A_174, %ne3A_177 : i1
    %sub3A_179 = arith.constant 1 : i32
    %sub3A_180 = arith.subi %div3A_159, %sub3A_179 : i32
    %select_n3A_181 = arith.select %and3A_178, %sub3A_180, %div3A_159 : i32
    %while3A_182 = arith.constant 0 : i32
    %while3A_183 = arith.constant 0 : i32
    %while3A_184 = arith.subi %select_n3A_181, %while3A_183 : i32
    %while3A_185 = arith.addi %while3A_183, %while3A_184 : i32
    %while3A_186 = arith.constant 1 : i32
    %while3A_187 = arith.divsi %while3A_184, %while3A_186 : i32
    %while3A_188 = arith.muli %while3A_187, %while3A_186 : i32
    %while3A_189 = arith.addi %while3A_183, %while3A_188 : i32
    %while3A_190 = arith.constant 1 : i32
    scf.for %while3A_225 = %while3A_183 to %while3A_189 step %while3A_190  : i32 {
      %mul3A_226 = arith.constant 2 : i32
      %mul3A_227 = arith.muli %mul3A_226, %while3A_225 : i32
      %add3A_228 = arith.constant 1 : i32
      %add3A_229 = arith.addi %mul3A_227, %add3A_228 : i32
      %add3A_230 = arith.constant 0 : i32
      %add3A_231 = arith.addi %add3A_229, %add3A_230 : i32
      %dma_wait3A_232 = arith.constant 0 : i32
      %dma_wait3A_233 = tpu.memref_slice %arg7[%add3A_231, %dma_wait3A_232] : memref<64x128xi32, #tpu.memory_space<vmem>> -> memref<1x128xi32, #tpu.memory_space<vmem>>
      %dma_wait3A_234 = tpu.memref_squeeze %dma_wait3A_233 : memref<1x128xi32, #tpu.memory_space<vmem>> -> memref<128xi32, #tpu.memory_space<vmem>>
      %dma_wait3A_235 = arith.constant 0 : i32
      %dma_wait3A_236 = arith.constant 0 : i32
      %dma_wait3A_237 = tpu.memref_slice %arg2[%arg0, %dma_wait3A_235, %dma_wait3A_236] : memref<2x10000x128xf32, #tpu.memory_space<hbm>> -> memref<1x10000x128xf32, #tpu.memory_space<hbm>>
      %dma_wait3A_238 = tpu.memref_squeeze %dma_wait3A_237 : memref<1x10000x128xf32, #tpu.memory_space<hbm>> -> memref<10000x128xf32, #tpu.memory_space<hbm>>
      %dma_wait3A_239 = arith.constant 0 : i32
      %dma_wait3A_240 = arith.constant 0 : i32
      %dma_wait3A_241 = tpu.memref_slice %dma_wait3A_238[%dma_wait3A_239, %dma_wait3A_240] : memref<10000x128xf32, #tpu.memory_space<hbm>> -> memref<10000x128xf32, #tpu.memory_space<hbm>>
      tpu.wait_indirect_dma semaphore(%arg13 : memref<!tpu.dma_semaphore, #tpu.memory_space<semaphore_mem>>) src(%dma_wait3A_241 : memref<10000x128xf32, #tpu.memory_space<hbm>>) dst(%arg10 : memref<128x128xf32, #tpu.memory_space<vmem>>)
      %sub3A_242 = arith.constant 1 : i32
      %sub3A_243 = arith.subi %add3A_231, %sub3A_242 : i32
      %dma_wait3A_244 = arith.constant 0 : i32
      %dma_wait3A_245 = tpu.memref_slice %arg8[%sub3A_243, %dma_wait3A_244] : memref<64x128xi32, #tpu.memory_space<vmem>> -> memref<1x128xi32, #tpu.memory_space<vmem>>
      %dma_wait3A_246 = tpu.memref_squeeze %dma_wait3A_245 : memref<1x128xi32, #tpu.memory_space<vmem>> -> memref<128xi32, #tpu.memory_space<vmem>>
      %dma_wait3A_247 = arith.constant 0 : i32
      %dma_wait3A_248 = arith.constant 0 : i32
      %dma_wait3A_249 = tpu.memref_slice %arg11[%dma_wait3A_247, %dma_wait3A_248] : memref<10112x128xf32, #tpu.memory_space<vmem_shared>> -> memref<10112x128xf32, #tpu.memory_space<vmem_shared>>
      tpu.wait_indirect_dma semaphore(%arg14 : memref<!tpu.dma_semaphore, #tpu.memory_space<semaphore_mem>>) src(%arg9 : memref<128x128xf32, #tpu.memory_space<vmem>>) dst(%dma_wait3A_249 : memref<10112x128xf32, #tpu.memory_space<vmem_shared>>)
      %add3A_250 = arith.constant 1 : i32
      %add3A_251 = arith.addi %add3A_231, %add3A_250 : i32
      %dma_start3A_252 = arith.constant 0 : i32
      %dma_start3A_253 = tpu.memref_slice %arg7[%add3A_251, %dma_start3A_252] : memref<64x128xi32, #tpu.memory_space<vmem>> -> memref<1x128xi32, #tpu.memory_space<vmem>>
      %dma_start3A_254 = tpu.memref_squeeze %dma_start3A_253 : memref<1x128xi32, #tpu.memory_space<vmem>> -> memref<128xi32, #tpu.memory_space<vmem>>
      %dma_start3A_255 = arith.constant 0 : i32
      %dma_start3A_256 = arith.constant 0 : i32
      %dma_start3A_257 = tpu.memref_slice %arg2[%arg0, %dma_start3A_255, %dma_start3A_256] : memref<2x10000x128xf32, #tpu.memory_space<hbm>> -> memref<1x10000x128xf32, #tpu.memory_space<hbm>>
      %dma_start3A_258 = tpu.memref_squeeze %dma_start3A_257 : memref<1x10000x128xf32, #tpu.memory_space<hbm>> -> memref<10000x128xf32, #tpu.memory_space<hbm>>
      %dma_start3A_259 = arith.constant 0 : i32
      %dma_start3A_260 = arith.constant 0 : i32
      %dma_start3A_261 = tpu.memref_slice %dma_start3A_258[%dma_start3A_259, %dma_start3A_260] : memref<10000x128xf32, #tpu.memory_space<hbm>> -> memref<10000x128xf32, #tpu.memory_space<hbm>>
      tpu.enqueue_indirect_dma source(%dma_start3A_261 : memref<10000x128xf32, #tpu.memory_space<hbm>>) target(%arg9 : memref<128x128xf32, #tpu.memory_space<vmem>>) offsets(%dma_start3A_254 : memref<128xi32, #tpu.memory_space<vmem>>) semaphore(%arg12 : memref<!tpu.dma_semaphore, #tpu.memory_space<semaphore_mem>>)
      %dma_start3A_262 = arith.constant 0 : i32
      %dma_start3A_263 = tpu.memref_slice %arg8[%add3A_231, %dma_start3A_262] : memref<64x128xi32, #tpu.memory_space<vmem>> -> memref<1x128xi32, #tpu.memory_space<vmem>>
      %dma_start3A_264 = tpu.memref_squeeze %dma_start3A_263 : memref<1x128xi32, #tpu.memory_space<vmem>> -> memref<128xi32, #tpu.memory_space<vmem>>
      %dma_start3A_265 = arith.constant 0 : i32
      %dma_start3A_266 = arith.constant 0 : i32
      %dma_start3A_267 = tpu.memref_slice %arg11[%dma_start3A_265, %dma_start3A_266] : memref<10112x128xf32, #tpu.memory_space<vmem_shared>> -> memref<10112x128xf32, #tpu.memory_space<vmem_shared>>
      tpu.enqueue_indirect_dma source(%arg10 : memref<128x128xf32, #tpu.memory_space<vmem>>) target(%dma_start3A_267 : memref<10112x128xf32, #tpu.memory_space<vmem_shared>>) offsets(%dma_start3A_264 : memref<128xi32, #tpu.memory_space<vmem>>) semaphore(%arg15 : memref<!tpu.dma_semaphore, #tpu.memory_space<semaphore_mem>>) {add = true}
      %add3A_268 = arith.constant 1 : i32
      %add3A_269 = arith.addi %add3A_229, %add3A_268 : i32
      %dma_wait3A_270 = arith.constant 0 : i32
      %dma_wait3A_271 = tpu.memref_slice %arg7[%add3A_269, %dma_wait3A_270] : memref<64x128xi32, #tpu.memory_space<vmem>> -> memref<1x128xi32, #tpu.memory_space<vmem>>
      %dma_wait3A_272 = tpu.memref_squeeze %dma_wait3A_271 : memref<1x128xi32, #tpu.memory_space<vmem>> -> memref<128xi32, #tpu.memory_space<vmem>>
      %dma_wait3A_273 = arith.constant 0 : i32
      %dma_wait3A_274 = arith.constant 0 : i32
      %dma_wait3A_275 = tpu.memref_slice %arg2[%arg0, %dma_wait3A_273, %dma_wait3A_274] : memref<2x10000x128xf32, #tpu.memory_space<hbm>> -> memref<1x10000x128xf32, #tpu.memory_space<hbm>>
      %dma_wait3A_276 = tpu.memref_squeeze %dma_wait3A_275 : memref<1x10000x128xf32, #tpu.memory_space<hbm>> -> memref<10000x128xf32, #tpu.memory_space<hbm>>
      %dma_wait3A_277 = arith.constant 0 : i32
      %dma_wait3A_278 = arith.constant 0 : i32
      %dma_wait3A_279 = tpu.memref_slice %dma_wait3A_276[%dma_wait3A_277, %dma_wait3A_278] : memref<10000x128xf32, #tpu.memory_space<hbm>> -> memref<10000x128xf32, #tpu.memory_space<hbm>>
      tpu.wait_indirect_dma semaphore(%arg12 : memref<!tpu.dma_semaphore, #tpu.memory_space<semaphore_mem>>) src(%dma_wait3A_279 : memref<10000x128xf32, #tpu.memory_space<hbm>>) dst(%arg9 : memref<128x128xf32, #tpu.memory_space<vmem>>)
      %sub3A_280 = arith.constant 1 : i32
      %sub3A_281 = arith.subi %add3A_269, %sub3A_280 : i32
      %dma_wait3A_282 = arith.constant 0 : i32
      %dma_wait3A_283 = tpu.memref_slice %arg8[%sub3A_281, %dma_wait3A_282] : memref<64x128xi32, #tpu.memory_space<vmem>> -> memref<1x128xi32, #tpu.memory_space<vmem>>
      %dma_wait3A_284 = tpu.memref_squeeze %dma_wait3A_283 : memref<1x128xi32, #tpu.memory_space<vmem>> -> memref<128xi32, #tpu.memory_space<vmem>>
      %dma_wait3A_285 = arith.constant 0 : i32
      %dma_wait3A_286 = arith.constant 0 : i32
      %dma_wait3A_287 = tpu.memref_slice %arg11[%dma_wait3A_285, %dma_wait3A_286] : memref<10112x128xf32, #tpu.memory_space<vmem_shared>> -> memref<10112x128xf32, #tpu.memory_space<vmem_shared>>
      tpu.wait_indirect_dma semaphore(%arg15 : memref<!tpu.dma_semaphore, #tpu.memory_space<semaphore_mem>>) src(%arg10 : memref<128x128xf32, #tpu.memory_space<vmem>>) dst(%dma_wait3A_287 : memref<10112x128xf32, #tpu.memory_space<vmem_shared>>)
      %add3A_288 = arith.constant 1 : i32
      %add3A_289 = arith.addi %add3A_269, %add3A_288 : i32
      %dma_start3A_290 = arith.constant 0 : i32
      %dma_start3A_291 = tpu.memref_slice %arg7[%add3A_289, %dma_start3A_290] : memref<64x128xi32, #tpu.memory_space<vmem>> -> memref<1x128xi32, #tpu.memory_space<vmem>>
      %dma_start3A_292 = tpu.memref_squeeze %dma_start3A_291 : memref<1x128xi32, #tpu.memory_space<vmem>> -> memref<128xi32, #tpu.memory_space<vmem>>
      %dma_start3A_293 = arith.constant 0 : i32
      %dma_start3A_294 = arith.constant 0 : i32
      %dma_start3A_295 = tpu.memref_slice %arg2[%arg0, %dma_start3A_293, %dma_start3A_294] : memref<2x10000x128xf32, #tpu.memory_space<hbm>> -> memref<1x10000x128xf32, #tpu.memory_space<hbm>>
      %dma_start3A_296 = tpu.memref_squeeze %dma_start3A_295 : memref<1x10000x128xf32, #tpu.memory_space<hbm>> -> memref<10000x128xf32, #tpu.memory_space<hbm>>
      %dma_start3A_297 = arith.constant 0 : i32
      %dma_start3A_298 = arith.constant 0 : i32
      %dma_start3A_299 = tpu.memref_slice %dma_start3A_296[%dma_start3A_297, %dma_start3A_298] : memref<10000x128xf32, #tpu.memory_space<hbm>> -> memref<10000x128xf32, #tpu.memory_space<hbm>>
      tpu.enqueue_indirect_dma source(%dma_start3A_299 : memref<10000x128xf32, #tpu.memory_space<hbm>>) target(%arg10 : memref<128x128xf32, #tpu.memory_space<vmem>>) offsets(%dma_start3A_292 : memref<128xi32, #tpu.memory_space<vmem>>) semaphore(%arg13 : memref<!tpu.dma_semaphore, #tpu.memory_space<semaphore_mem>>)
      %dma_start3A_300 = arith.constant 0 : i32
      %dma_start3A_301 = tpu.memref_slice %arg8[%add3A_269, %dma_start3A_300] : memref<64x128xi32, #tpu.memory_space<vmem>> -> memref<1x128xi32, #tpu.memory_space<vmem>>
      %dma_start3A_302 = tpu.memref_squeeze %dma_start3A_301 : memref<1x128xi32, #tpu.memory_space<vmem>> -> memref<128xi32, #tpu.memory_space<vmem>>
      %dma_start3A_303 = arith.constant 0 : i32
      %dma_start3A_304 = arith.constant 0 : i32
      %dma_start3A_305 = tpu.memref_slice %arg11[%dma_start3A_303, %dma_start3A_304] : memref<10112x128xf32, #tpu.memory_space<vmem_shared>> -> memref<10112x128xf32, #tpu.memory_space<vmem_shared>>
      tpu.enqueue_indirect_dma source(%arg9 : memref<128x128xf32, #tpu.memory_space<vmem>>) target(%dma_start3A_305 : memref<10112x128xf32, #tpu.memory_space<vmem_shared>>) offsets(%dma_start3A_302 : memref<128xi32, #tpu.memory_space<vmem>>) semaphore(%arg14 : memref<!tpu.dma_semaphore, #tpu.memory_space<semaphore_mem>>) {add = true}
    }
    %while3A_191 = arith.constant 1 : i32
    scf.for %while3A_225 = %while3A_189 to %while3A_185 step %while3A_191  : i32 {
      %mul3A_226 = arith.constant 2 : i32
      %mul3A_227 = arith.muli %mul3A_226, %while3A_225 : i32
      %add3A_228 = arith.constant 1 : i32
      %add3A_229 = arith.addi %mul3A_227, %add3A_228 : i32
      %add3A_230 = arith.constant 0 : i32
      %add3A_231 = arith.addi %add3A_229, %add3A_230 : i32
      %dma_wait3A_232 = arith.constant 0 : i32
      %dma_wait3A_233 = tpu.memref_slice %arg7[%add3A_231, %dma_wait3A_232] : memref<64x128xi32, #tpu.memory_space<vmem>> -> memref<1x128xi32, #tpu.memory_space<vmem>>
      %dma_wait3A_234 = tpu.memref_squeeze %dma_wait3A_233 : memref<1x128xi32, #tpu.memory_space<vmem>> -> memref<128xi32, #tpu.memory_space<vmem>>
      %dma_wait3A_235 = arith.constant 0 : i32
      %dma_wait3A_236 = arith.constant 0 : i32
      %dma_wait3A_237 = tpu.memref_slice %arg2[%arg0, %dma_wait3A_235, %dma_wait3A_236] : memref<2x10000x128xf32, #tpu.memory_space<hbm>> -> memref<1x10000x128xf32, #tpu.memory_space<hbm>>
      %dma_wait3A_238 = tpu.memref_squeeze %dma_wait3A_237 : memref<1x10000x128xf32, #tpu.memory_space<hbm>> -> memref<10000x128xf32, #tpu.memory_space<hbm>>
      %dma_wait3A_239 = arith.constant 0 : i32
      %dma_wait3A_240 = arith.constant 0 : i32
      %dma_wait3A_241 = tpu.memref_slice %dma_wait3A_238[%dma_wait3A_239, %dma_wait3A_240] : memref<10000x128xf32, #tpu.memory_space<hbm>> -> memref<10000x128xf32, #tpu.memory_space<hbm>>
      tpu.wait_indirect_dma semaphore(%arg13 : memref<!tpu.dma_semaphore, #tpu.memory_space<semaphore_mem>>) src(%dma_wait3A_241 : memref<10000x128xf32, #tpu.memory_space<hbm>>) dst(%arg10 : memref<128x128xf32, #tpu.memory_space<vmem>>)
      %sub3A_242 = arith.constant 1 : i32
      %sub3A_243 = arith.subi %add3A_231, %sub3A_242 : i32
      %dma_wait3A_244 = arith.constant 0 : i32
      %dma_wait3A_245 = tpu.memref_slice %arg8[%sub3A_243, %dma_wait3A_244] : memref<64x128xi32, #tpu.memory_space<vmem>> -> memref<1x128xi32, #tpu.memory_space<vmem>>
      %dma_wait3A_246 = tpu.memref_squeeze %dma_wait3A_245 : memref<1x128xi32, #tpu.memory_space<vmem>> -> memref<128xi32, #tpu.memory_space<vmem>>
      %dma_wait3A_247 = arith.constant 0 : i32
      %dma_wait3A_248 = arith.constant 0 : i32
      %dma_wait3A_249 = tpu.memref_slice %arg11[%dma_wait3A_247, %dma_wait3A_248] : memref<10112x128xf32, #tpu.memory_space<vmem_shared>> -> memref<10112x128xf32, #tpu.memory_space<vmem_shared>>
      tpu.wait_indirect_dma semaphore(%arg14 : memref<!tpu.dma_semaphore, #tpu.memory_space<semaphore_mem>>) src(%arg9 : memref<128x128xf32, #tpu.memory_space<vmem>>) dst(%dma_wait3A_249 : memref<10112x128xf32, #tpu.memory_space<vmem_shared>>)
      %add3A_250 = arith.constant 1 : i32
      %add3A_251 = arith.addi %add3A_231, %add3A_250 : i32
      %dma_start3A_252 = arith.constant 0 : i32
      %dma_start3A_253 = tpu.memref_slice %arg7[%add3A_251, %dma_start3A_252] : memref<64x128xi32, #tpu.memory_space<vmem>> -> memref<1x128xi32, #tpu.memory_space<vmem>>
      %dma_start3A_254 = tpu.memref_squeeze %dma_start3A_253 : memref<1x128xi32, #tpu.memory_space<vmem>> -> memref<128xi32, #tpu.memory_space<vmem>>
      %dma_start3A_255 = arith.constant 0 : i32
      %dma_start3A_256 = arith.constant 0 : i32
      %dma_start3A_257 = tpu.memref_slice %arg2[%arg0, %dma_start3A_255, %dma_start3A_256] : memref<2x10000x128xf32, #tpu.memory_space<hbm>> -> memref<1x10000x128xf32, #tpu.memory_space<hbm>>
      %dma_start3A_258 = tpu.memref_squeeze %dma_start3A_257 : memref<1x10000x128xf32, #tpu.memory_space<hbm>> -> memref<10000x128xf32, #tpu.memory_space<hbm>>
      %dma_start3A_259 = arith.constant 0 : i32
      %dma_start3A_260 = arith.constant 0 : i32
      %dma_start3A_261 = tpu.memref_slice %dma_start3A_258[%dma_start3A_259, %dma_start3A_260] : memref<10000x128xf32, #tpu.memory_space<hbm>> -> memref<10000x128xf32, #tpu.memory_space<hbm>>
      tpu.enqueue_indirect_dma source(%dma_start3A_261 : memref<10000x128xf32, #tpu.memory_space<hbm>>) target(%arg9 : memref<128x128xf32, #tpu.memory_space<vmem>>) offsets(%dma_start3A_254 : memref<128xi32, #tpu.memory_space<vmem>>) semaphore(%arg12 : memref<!tpu.dma_semaphore, #tpu.memory_space<semaphore_mem>>)
      %dma_start3A_262 = arith.constant 0 : i32
      %dma_start3A_263 = tpu.memref_slice %arg8[%add3A_231, %dma_start3A_262] : memref<64x128xi32, #tpu.memory_space<vmem>> -> memref<1x128xi32, #tpu.memory_space<vmem>>
      %dma_start3A_264 = tpu.memref_squeeze %dma_start3A_263 : memref<1x128xi32, #tpu.memory_space<vmem>> -> memref<128xi32, #tpu.memory_space<vmem>>
      %dma_start3A_265 = arith.constant 0 : i32
      %dma_start3A_266 = arith.constant 0 : i32
      %dma_start3A_267 = tpu.memref_slice %arg11[%dma_start3A_265, %dma_start3A_266] : memref<10112x128xf32, #tpu.memory_space<vmem_shared>> -> memref<10112x128xf32, #tpu.memory_space<vmem_shared>>
      tpu.enqueue_indirect_dma source(%arg10 : memref<128x128xf32, #tpu.memory_space<vmem>>) target(%dma_start3A_267 : memref<10112x128xf32, #tpu.memory_space<vmem_shared>>) offsets(%dma_start3A_264 : memref<128xi32, #tpu.memory_space<vmem>>) semaphore(%arg15 : memref<!tpu.dma_semaphore, #tpu.memory_space<semaphore_mem>>) {add = true}
      %add3A_268 = arith.constant 1 : i32
      %add3A_269 = arith.addi %add3A_229, %add3A_268 : i32
      %dma_wait3A_270 = arith.constant 0 : i32
      %dma_wait3A_271 = tpu.memref_slice %arg7[%add3A_269, %dma_wait3A_270] : memref<64x128xi32, #tpu.memory_space<vmem>> -> memref<1x128xi32, #tpu.memory_space<vmem>>
      %dma_wait3A_272 = tpu.memref_squeeze %dma_wait3A_271 : memref<1x128xi32, #tpu.memory_space<vmem>> -> memref<128xi32, #tpu.memory_space<vmem>>
      %dma_wait3A_273 = arith.constant 0 : i32
      %dma_wait3A_274 = arith.constant 0 : i32
      %dma_wait3A_275 = tpu.memref_slice %arg2[%arg0, %dma_wait3A_273, %dma_wait3A_274] : memref<2x10000x128xf32, #tpu.memory_space<hbm>> -> memref<1x10000x128xf32, #tpu.memory_space<hbm>>
      %dma_wait3A_276 = tpu.memref_squeeze %dma_wait3A_275 : memref<1x10000x128xf32, #tpu.memory_space<hbm>> -> memref<10000x128xf32, #tpu.memory_space<hbm>>
      %dma_wait3A_277 = arith.constant 0 : i32
      %dma_wait3A_278 = arith.constant 0 : i32
      %dma_wait3A_279 = tpu.memref_slice %dma_wait3A_276[%dma_wait3A_277, %dma_wait3A_278] : memref<10000x128xf32, #tpu.memory_space<hbm>> -> memref<10000x128xf32, #tpu.memory_space<hbm>>
      tpu.wait_indirect_dma semaphore(%arg12 : memref<!tpu.dma_semaphore, #tpu.memory_space<semaphore_mem>>) src(%dma_wait3A_279 : memref<10000x128xf32, #tpu.memory_space<hbm>>) dst(%arg9 : memref<128x128xf32, #tpu.memory_space<vmem>>)
      %sub3A_280 = arith.constant 1 : i32
      %sub3A_281 = arith.subi %add3A_269, %sub3A_280 : i32
      %dma_wait3A_282 = arith.constant 0 : i32
      %dma_wait3A_283 = tpu.memref_slice %arg8[%sub3A_281, %dma_wait3A_282] : memref<64x128xi32, #tpu.memory_space<vmem>> -> memref<1x128xi32, #tpu.memory_space<vmem>>
      %dma_wait3A_284 = tpu.memref_squeeze %dma_wait3A_283 : memref<1x128xi32, #tpu.memory_space<vmem>> -> memref<128xi32, #tpu.memory_space<vmem>>
      %dma_wait3A_285 = arith.constant 0 : i32
      %dma_wait3A_286 = arith.constant 0 : i32
      %dma_wait3A_287 = tpu.memref_slice %arg11[%dma_wait3A_285, %dma_wait3A_286] : memref<10112x128xf32, #tpu.memory_space<vmem_shared>> -> memref<10112x128xf32, #tpu.memory_space<vmem_shared>>
      tpu.wait_indirect_dma semaphore(%arg15 : memref<!tpu.dma_semaphore, #tpu.memory_space<semaphore_mem>>) src(%arg10 : memref<128x128xf32, #tpu.memory_space<vmem>>) dst(%dma_wait3A_287 : memref<10112x128xf32, #tpu.memory_space<vmem_shared>>)
      %add3A_288 = arith.constant 1 : i32
      %add3A_289 = arith.addi %add3A_269, %add3A_288 : i32
      %dma_start3A_290 = arith.constant 0 : i32
      %dma_start3A_291 = tpu.memref_slice %arg7[%add3A_289, %dma_start3A_290] : memref<64x128xi32, #tpu.memory_space<vmem>> -> memref<1x128xi32, #tpu.memory_space<vmem>>
      %dma_start3A_292 = tpu.memref_squeeze %dma_start3A_291 : memref<1x128xi32, #tpu.memory_space<vmem>> -> memref<128xi32, #tpu.memory_space<vmem>>
      %dma_start3A_293 = arith.constant 0 : i32
      %dma_start3A_294 = arith.constant 0 : i32
      %dma_start3A_295 = tpu.memref_slice %arg2[%arg0, %dma_start3A_293, %dma_start3A_294] : memref<2x10000x128xf32, #tpu.memory_space<hbm>> -> memref<1x10000x128xf32, #tpu.memory_space<hbm>>
      %dma_start3A_296 = tpu.memref_squeeze %dma_start3A_295 : memref<1x10000x128xf32, #tpu.memory_space<hbm>> -> memref<10000x128xf32, #tpu.memory_space<hbm>>
      %dma_start3A_297 = arith.constant 0 : i32
      %dma_start3A_298 = arith.constant 0 : i32
      %dma_start3A_299 = tpu.memref_slice %dma_start3A_296[%dma_start3A_297, %dma_start3A_298] : memref<10000x128xf32, #tpu.memory_space<hbm>> -> memref<10000x128xf32, #tpu.memory_space<hbm>>
      tpu.enqueue_indirect_dma source(%dma_start3A_299 : memref<10000x128xf32, #tpu.memory_space<hbm>>) target(%arg10 : memref<128x128xf32, #tpu.memory_space<vmem>>) offsets(%dma_start3A_292 : memref<128xi32, #tpu.memory_space<vmem>>) semaphore(%arg13 : memref<!tpu.dma_semaphore, #tpu.memory_space<semaphore_mem>>)
      %dma_start3A_300 = arith.constant 0 : i32
      %dma_start3A_301 = tpu.memref_slice %arg8[%add3A_269, %dma_start3A_300] : memref<64x128xi32, #tpu.memory_space<vmem>> -> memref<1x128xi32, #tpu.memory_space<vmem>>
      %dma_start3A_302 = tpu.memref_squeeze %dma_start3A_301 : memref<1x128xi32, #tpu.memory_space<vmem>> -> memref<128xi32, #tpu.memory_space<vmem>>
      %dma_start3A_303 = arith.constant 0 : i32
      %dma_start3A_304 = arith.constant 0 : i32
      %dma_start3A_305 = tpu.memref_slice %arg11[%dma_start3A_303, %dma_start3A_304] : memref<10112x128xf32, #tpu.memory_space<vmem_shared>> -> memref<10112x128xf32, #tpu.memory_space<vmem_shared>>
      tpu.enqueue_indirect_dma source(%arg9 : memref<128x128xf32, #tpu.memory_space<vmem>>) target(%dma_start3A_305 : memref<10112x128xf32, #tpu.memory_space<vmem_shared>>) offsets(%dma_start3A_302 : memref<128xi32, #tpu.memory_space<vmem>>) semaphore(%arg14 : memref<!tpu.dma_semaphore, #tpu.memory_space<semaphore_mem>>) {add = true}
    }
    %sub3A_192 = arith.constant 1 : i32
    %sub3A_193 = arith.subi %select_n3A, %sub3A_192 : i32
    %dma_wait3A_194 = arith.constant 0 : i32
    %dma_wait3A_195 = tpu.memref_slice %arg7[%sub3A_193, %dma_wait3A_194] : memref<64x128xi32, #tpu.memory_space<vmem>> -> memref<1x128xi32, #tpu.memory_space<vmem>>
    %dma_wait3A_196 = tpu.memref_squeeze %dma_wait3A_195 : memref<1x128xi32, #tpu.memory_space<vmem>> -> memref<128xi32, #tpu.memory_space<vmem>>
    %dma_wait3A_197 = arith.constant 0 : i32
    %dma_wait3A_198 = arith.constant 0 : i32
    %dma_wait3A_199 = tpu.memref_slice %arg2[%arg0, %dma_wait3A_197, %dma_wait3A_198] : memref<2x10000x128xf32, #tpu.memory_space<hbm>> -> memref<1x10000x128xf32, #tpu.memory_space<hbm>>
    %dma_wait3A_200 = tpu.memref_squeeze %dma_wait3A_199 : memref<1x10000x128xf32, #tpu.memory_space<hbm>> -> memref<10000x128xf32, #tpu.memory_space<hbm>>
    %dma_wait3A_201 = arith.constant 0 : i32
    %dma_wait3A_202 = arith.constant 0 : i32
    %dma_wait3A_203 = tpu.memref_slice %dma_wait3A_200[%dma_wait3A_201, %dma_wait3A_202] : memref<10000x128xf32, #tpu.memory_space<hbm>> -> memref<10000x128xf32, #tpu.memory_space<hbm>>
    tpu.wait_indirect_dma semaphore(%arg13 : memref<!tpu.dma_semaphore, #tpu.memory_space<semaphore_mem>>) src(%dma_wait3A_203 : memref<10000x128xf32, #tpu.memory_space<hbm>>) dst(%arg10 : memref<128x128xf32, #tpu.memory_space<vmem>>)
    %sub3A_204 = arith.constant 1 : i32
    %sub3A_205 = arith.subi %sub3A_193, %sub3A_204 : i32
    %dma_wait3A_206 = arith.constant 0 : i32
    %dma_wait3A_207 = tpu.memref_slice %arg8[%sub3A_205, %dma_wait3A_206] : memref<64x128xi32, #tpu.memory_space<vmem>> -> memref<1x128xi32, #tpu.memory_space<vmem>>
    %dma_wait3A_208 = tpu.memref_squeeze %dma_wait3A_207 : memref<1x128xi32, #tpu.memory_space<vmem>> -> memref<128xi32, #tpu.memory_space<vmem>>
    %dma_wait3A_209 = arith.constant 0 : i32
    %dma_wait3A_210 = arith.constant 0 : i32
    %dma_wait3A_211 = tpu.memref_slice %arg11[%dma_wait3A_209, %dma_wait3A_210] : memref<10112x128xf32, #tpu.memory_space<vmem_shared>> -> memref<10112x128xf32, #tpu.memory_space<vmem_shared>>
    tpu.wait_indirect_dma semaphore(%arg14 : memref<!tpu.dma_semaphore, #tpu.memory_space<semaphore_mem>>) src(%arg9 : memref<128x128xf32, #tpu.memory_space<vmem>>) dst(%dma_wait3A_211 : memref<10112x128xf32, #tpu.memory_space<vmem_shared>>)
    %dma_start3A_212 = arith.constant 0 : i32
    %dma_start3A_213 = tpu.memref_slice %arg8[%sub3A_193, %dma_start3A_212] : memref<64x128xi32, #tpu.memory_space<vmem>> -> memref<1x128xi32, #tpu.memory_space<vmem>>
    %dma_start3A_214 = tpu.memref_squeeze %dma_start3A_213 : memref<1x128xi32, #tpu.memory_space<vmem>> -> memref<128xi32, #tpu.memory_space<vmem>>
    %dma_start3A_215 = arith.constant 0 : i32
    %dma_start3A_216 = arith.constant 0 : i32
    %dma_start3A_217 = tpu.memref_slice %arg11[%dma_start3A_215, %dma_start3A_216] : memref<10112x128xf32, #tpu.memory_space<vmem_shared>> -> memref<10112x128xf32, #tpu.memory_space<vmem_shared>>
    tpu.enqueue_indirect_dma source(%arg10 : memref<128x128xf32, #tpu.memory_space<vmem>>) target(%dma_start3A_217 : memref<10112x128xf32, #tpu.memory_space<vmem_shared>>) offsets(%dma_start3A_214 : memref<128xi32, #tpu.memory_space<vmem>>) semaphore(%arg15 : memref<!tpu.dma_semaphore, #tpu.memory_space<semaphore_mem>>) {add = true}
    %dma_wait3A_218 = arith.constant 0 : i32
    %dma_wait3A_219 = tpu.memref_slice %arg8[%sub3A_193, %dma_wait3A_218] : memref<64x128xi32, #tpu.memory_space<vmem>> -> memref<1x128xi32, #tpu.memory_space<vmem>>
    %dma_wait3A_220 = tpu.memref_squeeze %dma_wait3A_219 : memref<1x128xi32, #tpu.memory_space<vmem>> -> memref<128xi32, #tpu.memory_space<vmem>>
    %dma_wait3A_221 = arith.constant 0 : i32
    %dma_wait3A_222 = arith.constant 0 : i32
    %dma_wait3A_223 = tpu.memref_slice %arg11[%dma_wait3A_221, %dma_wait3A_222] : memref<10112x128xf32, #tpu.memory_space<vmem_shared>> -> memref<10112x128xf32, #tpu.memory_space<vmem_shared>>
    tpu.wait_indirect_dma semaphore(%arg15 : memref<!tpu.dma_semaphore, #tpu.memory_space<semaphore_mem>>) src(%arg10 : memref<128x128xf32, #tpu.memory_space<vmem>>) dst(%dma_wait3A_223 : memref<10112x128xf32, #tpu.memory_space<vmem_shared>>)
    %barrier3A_224 = arith.constant 0 : index
    tpu.barrier barrier_id(%barrier3A_224)
    "tpu.region"() ({
      %run_scoped3A = tpu.sem_alloc : memref<!tpu.dma_semaphore, #tpu.memory_space<semaphore_mem>>
      %dma_start3A_225 = arith.constant 0 : i32
      %dma_start3A_226 = tpu.memref_slice %arg6[%arg0, %mul3A_10, %dma_start3A_225] : memref<2x10112x128xf32, #tpu.memory_space<hbm>> -> memref<1x632x128xf32, #tpu.memory_space<hbm>>
      %dma_start3A_227 = tpu.memref_squeeze %dma_start3A_226 : memref<1x632x128xf32, #tpu.memory_space<hbm>> -> memref<632x128xf32, #tpu.memory_space<hbm>>
      %dma_start3A_228 = arith.constant 0 : i32
      %dma_start3A_229 = tpu.memref_slice %arg11[%mul3A_10, %dma_start3A_228] : memref<10112x128xf32, #tpu.memory_space<vmem_shared>> -> memref<632x128xf32, #tpu.memory_space<vmem_shared>>
      tpu.enqueue_dma source(%dma_start3A_229 : memref<632x128xf32, #tpu.memory_space<vmem_shared>>) target(%dma_start3A_227 : memref<632x128xf32, #tpu.memory_space<hbm>>) target_semaphore(%run_scoped3A : memref<!tpu.dma_semaphore, #tpu.memory_space<semaphore_mem>>)
      %dma_wait3A_230 = arith.constant 0 : i32
      %dma_wait3A_231 = tpu.memref_slice %arg6[%arg0, %mul3A_10, %dma_wait3A_230] : memref<2x10112x128xf32, #tpu.memory_space<hbm>> -> memref<1x632x128xf32, #tpu.memory_space<hbm>>
      %dma_wait3A_232 = tpu.memref_squeeze %dma_wait3A_231 : memref<1x632x128xf32, #tpu.memory_space<hbm>> -> memref<632x128xf32, #tpu.memory_space<hbm>>
      %dma_wait3A_233 = arith.constant 0 : i32
      %dma_wait3A_234 = tpu.memref_slice %arg11[%mul3A_10, %dma_wait3A_233] : memref<10112x128xf32, #tpu.memory_space<vmem_shared>> -> memref<632x128xf32, #tpu.memory_space<vmem_shared>>
      tpu.wait_dma2 semaphore(%run_scoped3A : memref<!tpu.dma_semaphore, #tpu.memory_space<semaphore_mem>>) src(%dma_wait3A_234 : memref<632x128xf32, #tpu.memory_space<vmem_shared>>) dst(%dma_wait3A_232 : memref<632x128xf32, #tpu.memory_space<hbm>>)
      tpu.yield
    }) : () -> ()
    return
  }
}

module attributes {stable_mosaic.version = 14 : i64} {
  func.func @body(%arg0: i32, %arg1: memref<1000x128xf32, #tpu.memory_space<vmem>>, %arg2: memref<1x1000x128xf32, #tpu.memory_space<vmem>>, %arg3: memref<1x1000x128xf32, #tpu.memory_space<vmem>>, %arg4: memref<1000x128xf32, #tpu.memory_space<vmem>>) attributes {dimension_semantics = [#tpu.dimension_semantics<arbitrary>], iteration_bounds = array<i64: 10>, scalar_prefetch = 0 : i64, scratch_operands = 0 : i64, tpu.core_type = #tpu.core_type<tc>, window_params = [{transform_indices = @transform_0, window_bounds = array<i64: 1000, 128>}, {transform_indices = @transform_1, window_bounds = array<i64: 1, 1000, 128>}, {transform_indices = @transform_2, window_bounds = array<i64: 1, 1000, 128>}, {transform_indices = @transform_3, window_bounds = array<i64: 1000, 128>}]} {
    %get3A = arith.constant 0 : index
    %get3A_0 = arith.constant 0 : index
    %get3A_1 = vector.load %arg1[%get3A, %get3A_0] : memref<1000x128xf32, #tpu.memory_space<vmem>>, vector<1000x128xf32>
    %get3A_2 = arith.constant 0 : index
    %get3A_3 = arith.constant 0 : index
    %get3A_4 = arith.constant 0 : index
    %get3A_5 = vector.load %arg2[%get3A_2, %get3A_3, %get3A_4] : memref<1x1000x128xf32, #tpu.memory_space<vmem>>, vector<1x1000x128xf32>
    %get3A_6 = vector.shape_cast %get3A_5 : vector<1x1000x128xf32> to vector<1000x128xf32>
    %add3A = arith.addf %get3A_1, %get3A_6 : vector<1000x128xf32>
    %get3A_7 = arith.constant 0 : index
    %get3A_8 = arith.constant 0 : index
    %get3A_9 = arith.constant 0 : index
    %get3A_10 = vector.load %arg3[%get3A_7, %get3A_8, %get3A_9] : memref<1x1000x128xf32, #tpu.memory_space<vmem>>, vector<1x1000x128xf32>
    %get3A_11 = vector.shape_cast %get3A_10 : vector<1x1000x128xf32> to vector<1000x128xf32>
    %add3A_12 = arith.addf %add3A, %get3A_11 : vector<1000x128xf32>
    %swap3A = arith.constant 0 : index
    %swap3A_13 = arith.constant 0 : index
    %swap3A_14 = vector.load %arg4[%swap3A, %swap3A_13] : memref<1000x128xf32, #tpu.memory_space<vmem>>, vector<1000x128xf32>
    tpu.vector_store %arg4[%swap3A, %swap3A_13], %add3A_12 {strides = array<i32>} : memref<1000x128xf32, #tpu.memory_space<vmem>>, vector<1000x128xf32>,
    return
  }
  func.func @transform_0(%arg0: i32) -> (i32, i32) {
    %c0_i32 = arith.constant 0 : i32
    %c0_i32_0 = arith.constant 0 : i32
    return %arg0, %c0_i32 : i32, i32
  }
  func.func @transform_1(%arg0: i32) -> (i32, i32, i32) {
    %c0_i32 = arith.constant 0 : i32
    %c0_i32_0 = arith.constant 0 : i32
    %c0_i32_1 = arith.constant 0 : i32
    return %c0_i32, %arg0, %c0_i32_0 : i32, i32, i32
  }
  func.func @transform_2(%arg0: i32) -> (i32, i32, i32) {
    %c1_i32 = arith.constant 1 : i32
    %c0_i32 = arith.constant 0 : i32
    %c0_i32_0 = arith.constant 0 : i32
    return %c1_i32, %arg0, %c0_i32 : i32, i32, i32
  }
  func.func @transform_3(%arg0: i32) -> (i32, i32) {
    %c0_i32 = arith.constant 0 : i32
    %c0_i32_0 = arith.constant 0 : i32
    return %arg0, %c0_i32 : i32, i32
  }
}

</mosaic_0001>

<sc_bundles>
// kernel: kernel.4.cloned.1.call-start
scs
__scs_entry_jumppad:
0x0: {  	(pc) =	sbr.rel $0x88, $3  }
0x1: {  	(tag) =	ssettag $0x0;
	lr =	simm.s32 $0x1  }
0x2: {  	[smem:$0x3F9F] =	sst lr;
	_ =	strace $0xD0000000  }
0x3: {  	_ = 	snop  }
0x4: {  	_ = 	snop  }
0x5: {  	_ = 	snop  }
0x6: {  	_ = 	snop  }
0x7: {  	_ = 	snop  }
__scs_overlays_trampoline_lowered:
0x8: {  	[smem:$0x3FAE] =	sst s0  }
0x9: {  	[smem:$0x3FAF] =	sst s1  }
0xa: {  	[smem:$0x3FB0] =	sst s2  }
0xb: {  	[smem:$0x3FB1] =	sst s3  }
0xc: {  	[smem:$0x3FB2] =	sst s4  }
0xd: {  	[smem:$0x3FB3] =	sst s5  }
0xe: {  	[smem:$0x3FB4] =	sst s6  }
0xf: {  	[smem:$0x3FB5] =	sst s7  }
0x10: {  	[smem:$0x3FB6] =	sst s8  }
0x11: {  	[smem:$0x3FB7] =	sst s9;
	s0 =	simm.s32 @!p0 $0x0  }
0x12: {  	s1 =	sld [smem:$0x3F9D];
	s0 =	simm.s32 @p0 $0x1  }
0x13: {  	[smem:$0x3FB8] =	sst s0;
	s0 =	simm.s32 @!p1 $0x0  }
0x14: {  	s2 =	sld [smem:$0x3F9C];
	s0 =	simm.s32 @p1 $0x1  }
0x15: {  	[smem:$0x3FB9] =	sst s0;
	s0 =	simm.s32 @!p2 $0x0  }
0x16: {  	s3 =	sld [smem:$0x3FDB];
	s0 =	simm.s32 @p2 $0x1  }
0x17: {  	s4 =	simm.s32 $0x1BF5;
	[smem:$0x3FBB] =	sst s0  }
0x18: {  	s0 =	sld [smem:$0x3F9E];
	_ =	swait.ge [sflag:s4], $0x0  }
0x19: {  	s7 =	sld [smem:$0x3F9F]  }
0x1a: {  	s8 =	sadd.s32 $0xFFFFE003, lr  }
0x1b: {  	s9 =	sadd.s32 $0xFFFFFEF7, lr;
	s5 =	simm.s32 $0xFFFFFFFF;
	p2 =	slt.u32 s8, $0xFFFFF086  }
0x1c: {  	p1 =	slt.u32 s9, $0xF7A;
	s5 =	simm.s32 @!p2 $0x0  }
0x1d: {  	s5 =	simm.s32 @p1 $0x1;
	p0 =	seq.s32 s7, s2  }
0x1e: {  	s7 =	smul.u32 @!p0 $0xF7A, s2;
	p2 =	seq.s32 @!p0 s5, $0x0  }
0x1f: {  	s9 =	smul.u32 $0xF7A, s1;
	s8 =	simm.s32 @!p0 $0x1BF5;
	p2 =	por !p2, p0  }
0x20: {  	[sflag:s8] =	ssyncset.s32 @!p0 $0xFFFFF086;
	s6 =	sadd.s32 @!p0 s3, s7;
	s7 =	simm.s32 @!p0 $0x108  }
0x21: {  	s3 =	sadd.s32 s3, s9;
	s6 =	sadd.s32 @!p0 $0x88, s6;
	s7 =	simm.s32 @p2 $0x1082  }
0x22: {  	[simem:s7], [sflag:s8] =	dma.local @!p0 [hbm:s6], $0xF7A  }
0x23: {  	s9 =	sor.u32 $0xD0000000, s2;
	s6 =	simm.s32 $0x108;
	_ =	swait.ge @!p0 [sflag:s8], $0x0  }
0x24: {  	s3 =	sadd.s32 $0x88, s3;
	s6 =	simm.s32 @!p1 $0x1082;
	[sflag:s4] =	ssyncset.s32 $0xFFFFF086  }
0x25: {  	[simem:s6], [sflag:s4] =	dma.local [hbm:s3], $0xF7A  }
0x26: {  	[smem:$0x3F9F] =	sst s1;
	(tag) =	ssettag s2;
	_ =	strace s9  }
0x27: {  	s1 =	sld [smem:$0x3FAF]  }
0x28: {  	s2 =	sld [smem:$0x3FB0]  }
0x29: {  	s4 =	sld [smem:$0x3FB2]  }
0x2a: {  	p0 =	seq.s32 s5, $0x0;
	s5 =	sld [smem:$0x3FB3]  }
0x2b: {  	s6 =	sld [smem:$0x3FB4]  }
0x2c: {  	s7 =	sld [smem:$0x3FB5]  }
0x2d: {  	s3 =	simm.s32 $0x108;
	s8 =	sld [smem:$0x3FB6]  }
0x2e: {  	s3 =	simm.s32 @!p0 $0x1082;
	s9 =	sld [smem:$0x3FB7]  }
0x2f: {  	lr =	sadd.s32 s0, s3;
	s0 =	sld [smem:$0x3FAE]  }
0x30: {  	s3 =	sld [smem:$0x3FB1]  }
0x31: {  	[smem:$0x3FBA] =	sst s10  }
0x32: {  	s10 =	sld [smem:$0x3FB8];
	_ =	sdelay $0x3  }
0x33: {  	p0 =	seq.s32 s10, $0x1;
	s10 =	sld [smem:$0x3FBA];
	_ =	sdelay $0x3  }
0x34: {  	[smem:$0x3FBA] =	sst s10  }
0x35: {  	s10 =	sld [smem:$0x3FB9];
	_ =	sdelay $0x3  }
0x36: {  	p1 =	seq.s32 s10, $0x1;
	s10 =	sld [smem:$0x3FBA];
	_ =	sdelay $0x3  }
0x37: {  	[smem:$0x3FBA] =	sst s10  }
0x38: {  	s10 =	sld [smem:$0x3FBB]  }
0x39: {  	_ = 	snop;
	(pc) =	sbr.ind lr, $3  }
0x3a: {  	_ = 	snop  }
0x3b: {  	_ = 	snop  }
0x3c: {  	p2 =	seq.s32 s10, $0x1;
	s10 =	sld [smem:$0x3FBA]  }
0x3d: {  	_ =	shalt  }
0x3e: {  	_ =	shalt  }
0x3f: {  	_ =	shalt  }
0x40: {  	_ =	shalt  }
0x41: {  	_ =	shalt  }
0x42: {  	_ =	shalt  }
0x43: {  	_ =	shalt  }
0x44: {  	_ =	shalt  }
0x45: {  	_ =	shalt  }
0x46: {  	_ =	shalt  }
0x47: {  	_ =	shalt  }
0x48: {  	_ =	shalt  }
0x49: {  	_ =	shalt  }
0x4a: {  	_ =	shalt  }
0x4b: {  	_ =	shalt  }
0x4c: {  	_ =	shalt  }
0x4d: {  	_ =	shalt  }
0x4e: {  	_ =	shalt  }
0x4f: {  	_ =	shalt  }
0x50: {  	_ =	shalt  }
0x51: {  	_ =	shalt  }
0x52: {  	_ =	shalt  }
0x53: {  	_ =	shalt  }
0x54: {  	_ =	shalt  }
0x55: {  	_ =	shalt  }
0x56: {  	_ =	shalt  }
0x57: {  	_ =	shalt  }
0x58: {  	_ =	shalt  }
0x59: {  	_ =	shalt  }
0x5a: {  	_ =	shalt  }
0x5b: {  	_ =	shalt  }
0x5c: {  	_ =	shalt  }
0x5d: {  	_ =	shalt  }
0x5e: {  	_ =	shalt  }
0x5f: {  	_ =	shalt  }
0x60: {  	_ =	shalt  }
0x61: {  	_ =	shalt  }
0x62: {  	_ =	shalt  }
0x63: {  	_ =	shalt  }
0x64: {  	_ =	shalt  }
0x65: {  	_ =	shalt  }
0x66: {  	_ =	shalt  }
0x67: {  	_ =	shalt  }
0x68: {  	_ =	shalt  }
0x69: {  	_ =	shalt  }
0x6a: {  	_ =	shalt  }
0x6b: {  	_ =	shalt  }
0x6c: {  	_ =	shalt  }
0x6d: {  	_ =	shalt  }
0x6e: {  	_ =	shalt  }
0x6f: {  	_ =	shalt  }
0x70: {  	_ =	shalt  }
0x71: {  	_ =	shalt  }
0x72: {  	_ =	shalt  }
0x73: {  	_ =	shalt  }
0x74: {  	_ =	shalt  }
0x75: {  	_ =	shalt  }
0x76: {  	_ =	shalt  }
0x77: {  	_ =	shalt  }
0x78: {  	_ =	shalt  }
0x79: {  	_ =	shalt  }
0x7a: {  	_ =	shalt  }
0x7b: {  	_ =	shalt  }
0x7c: {  	_ =	shalt  }
0x7d: {  	_ =	shalt  }
0x7e: {  	_ =	shalt  }
0x7f: {  	_ =	shalt  }
0x80: {  	_ =	shalt  }
0x81: {  	_ =	shalt  }
0x82: {  	_ =	shalt  }
0x83: {  	_ =	shalt  }
0x84: {  	_ =	shalt  }
0x85: {  	_ =	shalt  }
0x86: {  	_ =	shalt  }
0x87: {  	_ =	shalt  }
.Lfunc_end0:
.L_simem_size_0:
called_computation_lowered:
.L_overlay_start_0:
0x88: {  	s2 =	sld [smem:$0x3FD9]  }
0x89: {  	s3 =	sld [smem:$0x3FFE];
	_ =	sdelay $0x1  }
0x8a: {  	s1 =	srdreg.scid  }
0x8b: {  	s0 =	sand.u32 $0x1, s1  }
0x8c: {  	s17 =	sshll.u32 s0, $0xA;
	s2 =	sadd.s32 s3, s2  }
0x8d: {  	s2 =	sadd.s32 s2, s17  }
0x8e: {  	[smem:$0x3FC6] =	sst s2  }
0x8f: {  	_ = 	snop  }
0x90: {  	s2 =	sld [smem:$0x3FD0];
	(tm) =	ssettm $0x1  }
0x91: {  	s18 =	sld [smem:$0x3FFB];
	_ =	sdelay $0x3  }
0x92: {  	_ =	strace s18  }
0x93: {  	s3 =	sld [smem:$0x3FFC];
	_ =	sdelay $0x3  }
0x94: {  	_ =	strace s3  }
0x95: {  	s3 =	sld [smem:$0x3FFD];
	_ =	sdelay $0x3  }
0x96: {  	_ =	strace s3  }
0x97: {  	_ =	strace $0x8FFFFFFF  }
0x98: {  	s19 =	sld [smem:$0x3FDB];
	_ =	sdelay $0x1  }
0x99: {  	s4 =	simm.s32 $_scs_section_size  }
0x9a: {  	s5 =	simm.s32 $_size__tile_overlayer_lowered;
	s6 =	simm.s32 $_tile_overlayer_lowered  }
0x9b: {  	s22 =	simm.s32 $0x1BFF;
	s21 =	sshll.u32 s6, $0x1;
	s3 =	sadd.s32 s4, s19  }
0x9c: {  	s7 =	simm.s32 $0x0;
	s20 =	sshll.u32 s5, $0x1;
	s5 =	sadd.s32 s21, s3  }
0x9d: {  	[timem:s7], [sflag:s22] =	dma.local [hbm:s5], s20  }
0x9e: {  	_ =	swait.ge [sflag:s22], s20  }
0x9f: {  	s4 =	ssub.s32 $0x0, s20;
	[sflag:s22] =	ssyncset.done $0x0  }
0xa0: {  	[sflag:s22] =	ssyncadd.s32 s4;
	_ =	sdelay $0x1  }
0xa1: {  	s23 =	simm.s32 $0x1B8B  }
0xa2: {  	_ =	swait.ge [sflag:s23], $0x1  }
0xa3: {  	[sflag:s23] =	ssyncset.done $0x0  }
0xa4: {  	s25 =	simm.s32 $0x1B8E;
	s24 =	sld [smem:$0x3FFE];
	[sflag:s23] =	ssyncadd.s32 $0xFFFFFFFF  }
0xa5: {  	s26 =	simm.s32 $execute0_lowered;
	[smem:$0x3FD2] =	sst s25  }
0xa6: {  	s5 =	sshll.u32 s26, $0x1;
	_ =	strace $0x80000046;
	[dreg:$0x1] =	wrdreg $0xFFFFFFFF  }
0xa7: {  	s28 =	simm.s32 $_size_execute0_lowered;
	s3 =	sadd.s32 s3, s5;
	[dreg:$0x0] =	wrdreg $0x0  }
0xa8: {  	s5 =	sshll.u32 s28, $0x1;
	[dreg:$0x2] =	wrdreg s3  }
0xa9: {  	[dreg:$0x3] =	wrdreg s5  }
0xaa: {  	[dreg:$0x4] =	wrdreg $0xC0  }
0xab: {  	_ =	task [dreg:s7], $0x5FFFF  }
0xac: {  	[dreg:$0x1] =	wrdreg $0xFFFFFFFF  }
0xad: {  	[dreg:$0x0] =	wrdreg $0x60  }
0xae: {  	[dreg:$0x2] =	wrdreg s24  }
0xaf: {  	[dreg:$0x3] =	wrdreg s2  }
0xb0: {  	[dreg:$0x4] =	wrdreg $0xC0000  }
0xb1: {  	[dreg:$0x5] =	wrdreg $0x9  }
0xb2: {  	_ =	task.clear_ibuf [dreg:s7], $0x6FFFF;
	_ =	strace $0x90000046  }
0xb3: {  	s29 =	simm.s32 $0x9;
	_ =	strace $0x80000048  }
0xb4: {  	_ =	swait.ge [sflag:s29], $0x1  }
0xb5: {  	[sflag:s29] =	ssyncadd.s32 $0xFFFFFFFF  }
0xb6: {  	_ =	strace $0x90000048  }
0xb7: {  	_ =	sfence  }
0xb8: {  	s30 =	sld [smem:$0x0];
	_ =	sdelay $0x2  }
0xb9: {  	s31 =	sshll.u32 s1, $0xD;
	s1 =	sshrl.u32 s1, $0x2  }
0xba: {  	s3 =	sand.u32 $0x4000, s31;
	s1 =	sadd.s32 s1, s30  }
0xbb: {  	s0 =	sor.u32 s3, s0;
	s1 =	sshll.u32 s1, $0x11  }
0xbc: {  	s0 =	sor.u32 s1, s0  }
0xbd: {  	s0 =	sadd.s32 $0x8F2B, s0  }
0xbe: {  	[sflag:s0] =	ssyncadd.remote.s32 $0x1  }
0xbf: {  	_ =	sfence.sel $0xFFFF  }
0xc0: {  	[dreg:$0x0] =	wrdreg $0xFFFFFFFF;
	(pc) =	sbr.abs _section_cstart, $3  }
0xc1: {  	[dreg:$0x1] =	wrdreg $0xFFFFFFFF  }
0xc2: {  	_ =	task.clear_ibuf [dreg:s7], $0x2FFFF;
	_ =	strace $0x9FFFFFFF  }
0xc3: {  	(tm) =	ssettm $0x7FFFFFFF  }
tec
execute0_lowered:
.L_overlay_start_1:
0x0: {  	(tag) =	ssettag $0x1  }
0x1: {  	s0 =	rddreg [dreg:$0x0]  }
0x2: {  	s1 =	rddreg [dreg:$0x1];
	s3 =	srdreg.scid  }
0x3: {  	s2 =	rddreg [dreg:$0x2];
	s12 =	stileid.u32  }
0x4: {  	s16 =	simm.s32 $0x5;
	s17 =	simm.s32 $0x2000;
	s18 =	simm.s32 $0x80  }
0x5: {  	s19 =	simm.s32 $0x4000;
	s20 =	simm.s32 $0x1;
	s21 =	simm.s32 $0x8000  }
0x6: {  	s29 =	simm.s32 $0x2080;
	s30 =	simm.s32 $0x180;
	s4 =	sand.u32 $0x1, s3  }
0x7: {  	s3 =	simm.s32 $0x0;
	s6 =	smul.u32 $0x13C00, s12;
	s11 =	sadd.s32 $0x4E400, s0  }
0x8: {  	s24 =	smul.u32 $0x4F000, s12;
	s25 =	sshll.u32 s12, $0x5;
	s10 =	sshll.u32 s12, $0x7  }
0x9: {  	s26 =	sshll.u32 s12, $0x6;
	s5 =	smul.u32 $0x27100, s4;
	[smem:$0x7FF] =	sst s3  }
0xa: {  	s7 =	smul.u32 $0x13C000, s4;
	s23 =	ssub.s32 $0x2, s4;
	p0 =	seq.s32 s4, $0x0  }
0xb: {  	s4 =	simm.s32 $0x40;
	s12 =	sor.u32 $0x810, s25;
	_ =	strace $0x80000047  }
0xc: {  	s22 =	sshrl.u32 s6, $0x3;
	s9 =	sshrl.u32 s23, $0x1;
	s4 =	simm.s32 @!p0 $0x10  }
0xd: {  	s8 =	sadd.s32 s5, s0;
	s6 =	sadd.s32 s6, s7;
	s5 =	sadd.s32 s22, s0  }
0xe: {  	s14 =	ssub.s32 s23, s9;
	s7 =	sor.u32 $0x800, s25;
	s28 =	sadd.s32 $0xFFFFFFFE, s4  }
0xf: {  	s4 =	sshll.u32 s4, $0x7;
	s22 =	simm.s32 $0x2;
	s23 =	simm.s32 $0x3  }
0x10: {  	s25 =	simm.s32 $0x0;
	s6 =	sshrl.u32 s6, $0x3;
	s7 =	smov.u32 @p0 s10  }
0x11: {  	s5 =	sadd.s32 $0x58800, s5;
	s8 =	sadd.s32 $0x200, s8;
	s10 =	sor.u32 $0x40, s10  }
0x12: {  	s9 =	sshrl.u32 s28, $0x1;
	s14 =	smax.u32 s14, $0x1;
	s0 =	sadd.s32 s6, s0  }
0x13: {  	s6 =	sshrl.u32 s24, $0x2;
	[dreg:$0x4] =	wrdreg s5;
	s7 =	sshll.u32 s7, $0x4  }
0x14: {  	s5 =	sor.u32 $0x1C05, s26;
	s12 =	smov.u32 @p0 s10;
	s10 =	sadd.s32 $0x1F80, s4  }
0x15: {  	s24 =	simm.s32 $0x4;
	s15 =	sadd.s32 s6, s2;
	s6 =	sadd.s32 s11, s7  }
0x16: {  	s7 =	sadd.s32 s1, s7;
	s31 =	sshll.u32 s12, $0x4;
	s13 =	sadd.s32 $0x80000, s0  }
0x17: {  	s11 =	sadd.s32 s11, s31;
	s12 =	sadd.s32 s1, s31;
	s15 =	sshrl.u32 s15, $0x3  }
.LBB2_1:
0x18: {  	s0 =	rddreg [dreg:$0x4]  }
0x19: {  	[spmem:s15], [sflag:s5] =	dma.local [hbm:s0], $0x2780  }
0x1a: {  	_ =	swait.ge [sflag:s16], $0x2780  }
0x1b: {  	[sflag:s16] =	ssyncset.done $0x0  }
0x1c: {  	[sflag:s16] =	ssyncadd.s32 $0xFFFFD880  }
0x1d: {  	[bflag:$0x0] =	sbarrier.arrive $0xFFFF  }
0x1e: {  	[tilespmem:s3], [sflag:$0x5] =	stream.linear.gather [hbm4b:s6+s3], $0x2000, $0x38;
	[tilespmem:$0x1FC00] =	vst v63  }
0x1f: {  	_ =	swait.ge [sflag:s16], $0x2000  }
0x20: {  	[sflag:s16] =	ssyncset.done $0x0  }
0x21: {  	[sflag:s16] =	ssyncadd.s32 $0xFFFFE000  }
0x22: {  	[tilespmem:s17], [sflag:$0x5] =	stream.linear.gather [hbm4b:s7+s3], $0x2000, $0x38;
	[tilespmem:$0x1FC00] =	vst v63  }
0x23: {  	_ =	swait.ge [sflag:s16], $0x2000  }
0x24: {  	[sflag:s16] =	ssyncset.done $0x0  }
0x25: {  	[sflag:s16] =	ssyncadd.s32 $0xFFFFE000  }
0x26: {  	[tilespmem:s19], [sflag:$0x1] =	stream.indirect.gather [hbm4b:s8+s18], $0x80, s3, s18, $0xb8;
	[tilespmem:$0x1FC00] =	vst v63  }
0x27: {  	_ =	swait.ge [sflag:s20], $0x4000  }
0x28: {  	[sflag:s20] =	ssyncset.done $0x0  }
0x29: {  	[sflag:s20] =	ssyncadd.s32 $0xFFFFC000  }
0x2a: {  	[spmem:s2] =	stream.indirect.scatter.add.f32 [tilespmem:s19], [sflag:$0x3], $0x80, s17, s18, $0xb8;
	[tilespmem:$0x1FC00] =	vst v63  }
0x2b: {  	_ = 	snop  }
0x2c: {  	[tilespmem:s21], [sflag:$0x2] =	stream.indirect.gather [hbm4b:s8+s18], $0x80, s18, s18, $0xb8;
	[tilespmem:$0x1FC00] =	vst v63  }
0x2d: {  	_ =	swait.ge [sflag:s22], $0x4000  }
0x2e: {  	[sflag:s22] =	ssyncset.done $0x0  }
0x2f: {  	[sflag:s22] =	ssyncadd.s32 $0xFFFFC000  }
0x30: {  	_ =	swait.ge [sflag:s23], $0x4000  }
0x31: {  	[sflag:s23] =	ssyncset.done $0x0  }
0x32: {  	s28 =	simm.s32 $0x100;
	[sflag:s23] =	ssyncadd.s32 $0xFFFFC000  }
0x33: {  	[tilespmem:s19], [sflag:$0x1] =	stream.indirect.gather [hbm4b:s8+s18], $0x80, s28, s18, $0xb8;
	[tilespmem:$0x1FC00] =	vst v63  }
0x34: {  	_ = 	snop  }
0x35: {  	[spmem:s2] =	stream.indirect.scatter.add.f32 [tilespmem:s21], [sflag:$0x4], $0x80, s29, s18, $0xb8;
	[tilespmem:$0x1FC00] =	vst v63  }
0x36: {  	_ =	swait.ge [sflag:s20], $0x4000  }
0x37: {  	p0 =	sne.s32 s9, $0x1;
	[sflag:s20] =	ssyncset.done $0x0  }
.Ltmp0:
0x38: {  	[sflag:s20] =	ssyncadd.s32 $0xFFFFC000;
	(pc) =	sbr.rel @!p0 .LBB2_3-.Ltmp0, $4  }
0x39: {  	s31 =	sadd.s32 $0xFFFFFFFF, s9;
	_ =	swait.ge [sflag:s24], $0x4000  }
0x3a: {  	s26 =	simm.s32 $0x2100;
	s1 =	simm.s32 $0x2180;
	[sflag:s24] =	ssyncset.done $0x0  }
0x3b: {  	s4 =	simm.s32 $0x2100;
	s0 =	simm.s32 $0x280;
	[sflag:s24] =	ssyncadd.s32 $0xFFFFC000  }
0x3c: {  	[tilespmem:s21], [sflag:$0x2] =	stream.indirect.gather [hbm4b:s8+s18], $0x80, s30, s18, $0xb8;
	[tilespmem:$0x1FC00] =	vst v63  }
.LBB2_2:
0x3d: {  	[spmem:s2] =	stream.indirect.scatter.add.f32 [tilespmem:s19], [sflag:$0x3], $0x80, s4, s18, $0xb8;
	[tilespmem:$0x1FC00] =	vst v63  }
0x3e: {  	p1 =	sne.s32 s31, $0x1;
	s31 =	sadd.s32 $0xFFFFFFFF, s31;
	_ =	swait.ge [sflag:s22], $0x4000  }
0x3f: {  	[sflag:s22] =	ssyncset.done $0x0  }
0x40: {  	[sflag:s22] =	ssyncadd.s32 $0xFFFFC000  }
0x41: {  	_ =	swait.ge [sflag:s23], $0x4000  }
0x42: {  	[sflag:s23] =	ssyncset.done $0x0  }
0x43: {  	s4 =	sadd.s32 $0xFFFFFF80, s0;
	[sflag:s23] =	ssyncadd.s32 $0xFFFFC000  }
0x44: {  	[tilespmem:s19], [sflag:$0x1] =	stream.indirect.gather [hbm4b:s8+s18], $0x80, s4, s18, $0xb8;
	[tilespmem:$0x1FC00] =	vst v63  }
0x45: {  	_ = 	snop  }
0x46: {  	[spmem:s2] =	stream.indirect.scatter.add.f32 [tilespmem:s21], [sflag:$0x4], $0x80, s1, s18, $0xb8;
	[tilespmem:$0x1FC00] =	vst v63  }
0x47: {  	_ =	swait.ge [sflag:s20], $0x4000  }
0x48: {  	[sflag:s20] =	ssyncset.done $0x0  }
0x49: {  	[sflag:s20] =	ssyncadd.s32 $0xFFFFC000  }
.Ltmp1:
0x4a: {  	_ =	swait.ge [sflag:s24], $0x4000;
	(pc) =	sbr.rel @p1 .LBB2_2-.Ltmp1, $4  }
0x4b: {  	[sflag:s24] =	ssyncset.done $0x0  }
0x4c: {  	[sflag:s24] =	ssyncadd.s32 $0xFFFFC000  }
0x4d: {  	[tilespmem:s21], [sflag:$0x2] =	stream.indirect.gather [hbm4b:s8+s18], $0x80, s0, s18, $0xb8;
	[tilespmem:$0x1FC00] =	vst v63  }
0x4e: {  	s4 =	sadd.s32 $0x80, s1;
	s1 =	sadd.s32 $0x100, s1;
	s0 =	sadd.s32 $0x100, s0  }
.LBB2_3:
0x4f: {  	[spmem:s2] =	stream.indirect.scatter.add.f32 [tilespmem:s19], [sflag:$0x3], $0x80, s4, s18, $0xb8;
	[tilespmem:$0x1FC00] =	vst v63  }
0x50: {  	_ =	swait.ge [sflag:s22], $0x4000  }
0x51: {  	[sflag:s22] =	ssyncset.done $0x0  }
0x52: {  	[sflag:s22] =	ssyncadd.s32 $0xFFFFC000  }
0x53: {  	_ =	swait.ge [sflag:s23], $0x4000  }
0x54: {  	[sflag:s23] =	ssyncset.done $0x0  }
0x55: {  	[sflag:s23] =	ssyncadd.s32 $0xFFFFC000  }
0x56: {  	[spmem:s2] =	stream.indirect.scatter.add.f32 [tilespmem:s21], [sflag:$0x4], $0x80, s10, s18, $0xb8;
	[tilespmem:$0x1FC00] =	vst v63  }
0x57: {  	_ =	swait.ge [sflag:s24], $0x4000  }
0x58: {  	[sflag:s24] =	ssyncset.done $0x0  }
0x59: {  	[sflag:s24] =	ssyncadd.s32 $0xFFFFC000  }
0x5a: {  	[tilespmem:s3], [sflag:$0x5] =	stream.linear.gather [hbm4b:s11+s3], $0x2000, $0x38;
	[tilespmem:$0x1FC00] =	vst v63  }
0x5b: {  	_ =	swait.ge [sflag:s16], $0x2000  }
0x5c: {  	[sflag:s16] =	ssyncset.done $0x0  }
0x5d: {  	[sflag:s16] =	ssyncadd.s32 $0xFFFFE000  }
0x5e: {  	[tilespmem:s17], [sflag:$0x5] =	stream.linear.gather [hbm4b:s12+s3], $0x2000, $0x38;
	[tilespmem:$0x1FC00] =	vst v63  }
0x5f: {  	_ =	swait.ge [sflag:s16], $0x2000  }
0x60: {  	[sflag:s16] =	ssyncset.done $0x0  }
0x61: {  	[sflag:s16] =	ssyncadd.s32 $0xFFFFE000  }
0x62: {  	[tilespmem:s19], [sflag:$0x1] =	stream.indirect.gather [hbm4b:s8+s18], $0x80, s3, s18, $0xb8;
	[tilespmem:$0x1FC00] =	vst v63  }
0x63: {  	_ =	swait.ge [sflag:s20], $0x4000  }
0x64: {  	[sflag:s20] =	ssyncset.done $0x0  }
0x65: {  	[sflag:s20] =	ssyncadd.s32 $0xFFFFC000  }
0x66: {  	[spmem:s2] =	stream.indirect.scatter.add.f32 [tilespmem:s19], [sflag:$0x3], $0x80, s17, s18, $0xb8;
	[tilespmem:$0x1FC00] =	vst v63  }
0x67: {  	_ = 	snop  }
0x68: {  	[tilespmem:s21], [sflag:$0x2] =	stream.indirect.gather [hbm4b:s8+s18], $0x80, s18, s18, $0xb8;
	[tilespmem:$0x1FC00] =	vst v63  }
0x69: {  	_ =	swait.ge [sflag:s22], $0x4000  }
0x6a: {  	[sflag:s22] =	ssyncset.done $0x0  }
0x6b: {  	[sflag:s22] =	ssyncadd.s32 $0xFFFFC000  }
0x6c: {  	_ =	swait.ge [sflag:s23], $0x4000  }
0x6d: {  	[sflag:s23] =	ssyncset.done $0x0  }
0x6e: {  	[sflag:s23] =	ssyncadd.s32 $0xFFFFC000  }
0x6f: {  	[tilespmem:s19], [sflag:$0x1] =	stream.indirect.gather [hbm4b:s8+s18], $0x80, s28, s18, $0xb8;
	[tilespmem:$0x1FC00] =	vst v63  }
0x70: {  	_ = 	snop  }
0x71: {  	[spmem:s2] =	stream.indirect.scatter.add.f32 [tilespmem:s21], [sflag:$0x4], $0x80, s29, s18, $0xb8;
	[tilespmem:$0x1FC00] =	vst v63  }
0x72: {  	_ =	swait.ge [sflag:s20], $0x4000  }
0x73: {  	[sflag:s20] =	ssyncset.done $0x0  }
.Ltmp2:
0x74: {  	[sflag:s20] =	ssyncadd.s32 $0xFFFFC000;
	(pc) =	sbr.rel @!p0 .LBB2_5-.Ltmp2, $4  }
0x75: {  	_ =	swait.ge [sflag:s24], $0x4000  }
0x76: {  	s0 =	sadd.s32 $0xFFFFFFFF, s9;
	[sflag:s24] =	ssyncset.done $0x0  }
0x77: {  	s1 =	simm.s32 $0x280;
	s28 =	simm.s32 $0x2180;
	[sflag:s24] =	ssyncadd.s32 $0xFFFFC000  }
0x78: {  	[tilespmem:s21], [sflag:$0x2] =	stream.indirect.gather [hbm4b:s8+s18], $0x80, s30, s18, $0xb8;
	[tilespmem:$0x1FC00] =	vst v63  }
.LBB2_4:
0x79: {  	[spmem:s2] =	stream.indirect.scatter.add.f32 [tilespmem:s19], [sflag:$0x3], $0x80, s26, s18, $0xb8;
	[tilespmem:$0x1FC00] =	vst v63  }
0x7a: {  	p0 =	sne.s32 s0, $0x1;
	s0 =	sadd.s32 $0xFFFFFFFF, s0;
	_ =	swait.ge [sflag:s22], $0x4000  }
0x7b: {  	[sflag:s22] =	ssyncset.done $0x0  }
0x7c: {  	[sflag:s22] =	ssyncadd.s32 $0xFFFFC000  }
0x7d: {  	_ =	swait.ge [sflag:s23], $0x4000  }
0x7e: {  	[sflag:s23] =	ssyncset.done $0x0  }
0x7f: {  	s4 =	sadd.s32 $0xFFFFFF80, s1;
	[sflag:s23] =	ssyncadd.s32 $0xFFFFC000  }
0x80: {  	[tilespmem:s19], [sflag:$0x1] =	stream.indirect.gather [hbm4b:s8+s18], $0x80, s4, s18, $0xb8;
	[tilespmem:$0x1FC00] =	vst v63  }
0x81: {  	_ = 	snop  }
0x82: {  	[spmem:s2] =	stream.indirect.scatter.add.f32 [tilespmem:s21], [sflag:$0x4], $0x80, s28, s18, $0xb8;
	[tilespmem:$0x1FC00] =	vst v63  }
0x83: {  	_ =	swait.ge [sflag:s20], $0x4000  }
0x84: {  	[sflag:s20] =	ssyncset.done $0x0  }
0x85: {  	[sflag:s20] =	ssyncadd.s32 $0xFFFFC000  }
.Ltmp3:
0x86: {  	_ =	swait.ge [sflag:s24], $0x4000;
	(pc) =	sbr.rel @p0 .LBB2_4-.Ltmp3, $4  }
0x87: {  	[sflag:s24] =	ssyncset.done $0x0  }
0x88: {  	[sflag:s24] =	ssyncadd.s32 $0xFFFFC000  }
0x89: {  	[tilespmem:s21], [sflag:$0x2] =	stream.indirect.gather [hbm4b:s8+s18], $0x80, s1, s18, $0xb8;
	[tilespmem:$0x1FC00] =	vst v63  }
0x8a: {  	s26 =	sadd.s32 $0x80, s28;
	s28 =	sadd.s32 $0x100, s28;
	s1 =	sadd.s32 $0x100, s1  }
.LBB2_5:
0x8b: {  	[spmem:s2] =	stream.indirect.scatter.add.f32 [tilespmem:s19], [sflag:$0x3], $0x80, s26, s18, $0xb8;
	[tilespmem:$0x1FC00] =	vst v63  }
0x8c: {  	_ =	swait.ge [sflag:s22], $0x4000  }
0x8d: {  	[sflag:s22] =	ssyncset.done $0x0  }
0x8e: {  	[sflag:s22] =	ssyncadd.s32 $0xFFFFC000  }
0x8f: {  	_ =	swait.ge [sflag:s23], $0x4000  }
0x90: {  	[sflag:s23] =	ssyncset.done $0x0  }
0x91: {  	[sflag:s23] =	ssyncadd.s32 $0xFFFFC000  }
0x92: {  	[spmem:s2] =	stream.indirect.scatter.add.f32 [tilespmem:s21], [sflag:$0x4], $0x80, s10, s18, $0xb8;
	[tilespmem:$0x1FC00] =	vst v63  }
0x93: {  	_ =	swait.ge [sflag:s24], $0x4000  }
0x94: {  	s25 =	sadd.s32 $0x1, s25;
	[sflag:s24] =	ssyncset.done $0x0  }
0x95: {  	p0 =	sne.s32 s25, s14;
	[sflag:s24] =	ssyncadd.s32 $0xFFFFC000  }
.Ltmp4:
0x96: {  	[bflag:$0x0] =	sbarrier.arrive $0xFFFF;
	(pc) =	sbr.rel @p0 .LBB2_1-.Ltmp4, $4  }
0x97: {  	[hbm:s13], [sflag:s5] =	dma.local [spmem:s15], $0x2780  }
0x98: {  	_ =	swait.ge [sflag:s16], $0x2780  }
0x99: {  	[sflag:s16] =	ssyncset.done $0x0  }
0x9a: {  	[sflag:s16] =	ssyncadd.s32 $0xFFFFD880  }
0x9b: {  	_ =	sfence.sel $0x180000  }
0x9c: {  	[bflag:$0x0] =	sbarrier.arrive $0xFFFF  }
0x9d: {  	_ =	strace $0x90000047  }
0x9e: {  	s0 =	stileid.u32;
	[bflag:$0x2] =	sbarrier.arrive $0xFFFF  }
0x9f: {  	p0 =	sne.s32 s0, $0x0;
	s0 =	rddreg [dreg:$0x3]  }
0xa0: {  	s0 =	sadd.s32 @!p0 $0x100000, s0  }
0xa1: {  	[sflag:s0] =	ssyncadd.tile.s32 @!p0 $0x1;
	_ =	shalt  }
.Lfunc_end2:
_tile_overlayer_lowered:
.L_overlay_start_2:
0xa2: {  	(tag) =	ssettag $0x2  }
0xa3: {  	s0 =	rddreg [dreg:$0x0];
	s2 =	stileid.u32  }
0xa4: {  	s1 =	rddreg [dreg:$0x1];
	p0 =	sne.s32 s2, $0x0  }
0xa5: {  	s3 =	rddreg [dreg:$0x2];
	[bflag:$0x3] =	sbarrier.arrive $0xFFFF;
	s2 =	simm.s32 @!p0 $0x1C05  }
0xa6: {  	[timem:s3], [sflag:s2] =	dma.local @!p0 [hbm:s0], s1  }
0xa7: {  	s0 =	simm.s32 @!p0 $0x5  }
0xa8: {  	_ =	swait.ge @!p0 [sflag:s0], s1  }
0xa9: {  	s1 =	ssub.s32 @!p0 $0x0, s1;
	[sflag:s0] =	ssyncset.done @!p0 $0x0  }
0xaa: {  	[sflag:s0] =	ssyncadd.s32 @!p0 s1  }
0xab: {  	[bflag:$0x3] =	sbarrier.arrive $0xFFFF  }
0xac: {  	_ =	shalt  }

</sc_bundles>
